<compile_context>
chip_gen: v7x
topology: tpu7x:2x2x1
jax: 0.10.2.dev20260603
libtpu: 0.0.44.dev20260713+nightly
codegen_flags: <defaults>
</compile_context>

<pallas_src>
import functools

import jax
import jax.numpy as jnp
from jax import lax
from jax.experimental import pallas as pl
from jax.experimental.pallas import tpu as pltpu
from jax.experimental.pallas import tpu_sc as plsc

N = 10000
NP = 10240
D = 128
E = 320000
NC = 2
NS = 16
NW = NC * NS
C = 128
CH = 80
EP = NW * CH * C
RPT = NP // NS
NPAD = NP - N

_mesh = plsc.VectorSubcoreMesh(core_axis_name="c", subcore_axis_name="s")


@functools.partial(
    pl.kernel,
    mesh=_mesh,
    out_type=jax.ShapeDtypeStruct((NC * 2 * NP,), jnp.float32),
    scratch_types=[
        pltpu.VMEM((CH, C), jnp.int32),
        pltpu.VMEM((CH, C), jnp.int32),
        pltpu.VMEM((C,), jnp.float32),
        pltpu.VMEM((RPT,), jnp.float32),
        pltpu.VMEM_SHARED((NP,), jnp.float32),
        pltpu.VMEM_SHARED((NP,), jnp.float32),
    ],
)
def _deg_kernel(src_hbm, dst_hbm, out_hbm,
                src_v, dst_v, ones_v, buf_v, acc_out, acc_in):
    c = lax.axis_index("c")
    s = lax.axis_index("s")
    w = s * NC + c
    pltpu.sync_copy(src_hbm.at[w], src_v)
    pltpu.sync_copy(dst_hbm.at[w], dst_v)

    one16 = jnp.ones((16,), jnp.float32)
    zero16 = jnp.zeros((16,), jnp.float32)

    def fill_ones(i, carry):
        ones_v[pl.ds(i * 16, 16)] = one16
        return carry

    lax.fori_loop(0, C // 16, fill_ones, 0)

    def fill_zero(i, carry):
        buf_v[pl.ds(i * 16, 16)] = zero16
        return carry

    lax.fori_loop(0, RPT // 16, fill_zero, 0)
    pltpu.sync_copy(buf_v, acc_out.at[pl.ds(s * RPT, RPT)])
    pltpu.sync_copy(buf_v, acc_in.at[pl.ds(s * RPT, RPT)])
    plsc.subcore_barrier()

    def body(j, carry):
        pltpu.sync_copy(ones_v, acc_out.at[src_v.at[j]], add=True)
        pltpu.sync_copy(ones_v, acc_in.at[dst_v.at[j]], add=True)
        return carry

    lax.fori_loop(0, CH, body, 0)
    plsc.subcore_barrier()
    pltpu.sync_copy(acc_out.at[pl.ds(s * RPT, RPT)], buf_v)
    pltpu.sync_copy(buf_v, out_hbm.at[pl.ds(c * (2 * NP) + s * RPT, RPT)])
    pltpu.sync_copy(acc_in.at[pl.ds(s * RPT, RPT)], buf_v)
    pltpu.sync_copy(buf_v, out_hbm.at[pl.ds(c * (2 * NP) + NP + s * RPT, RPT)])


@functools.partial(
    pl.kernel,
    mesh=_mesh,
    out_type=jax.ShapeDtypeStruct((NC * NP, D), jnp.float32),
    scratch_types=[
        pltpu.VMEM((CH, C), jnp.int32),
        pltpu.VMEM((CH, C), jnp.int32),
        pltpu.VMEM((C, D), jnp.float32),
        pltpu.VMEM_SHARED((NP, D), jnp.float32),
        pltpu.SemaphoreType.DMA,
    ],
)
def _agg_kernel(y_hbm, src_hbm, dst_hbm, out_hbm,
                src_v, dst_v, rows_v, acc_sh, sem):
    c = lax.axis_index("c")
    s = lax.axis_index("s")
    w = s * NC + c
    pltpu.sync_copy(src_hbm.at[w], src_v)
    pltpu.sync_copy(dst_hbm.at[w], dst_v)

    zero16 = jnp.zeros((16,), jnp.float32)

    def fill_zero(i, carry):
        def cols(k, carry2):
            rows_v[i, pl.ds(k * 16, 16)] = zero16
            return carry2
        return lax.fori_loop(0, D // 16, cols, carry)

    lax.fori_loop(0, C, fill_zero, 0)
    for r in range(RPT // C):
        pltpu.sync_copy(rows_v, acc_sh.at[pl.ds(s * RPT + r * C, C)])
    plsc.subcore_barrier()

    def body(j, carry):
        pltpu.async_copy(y_hbm.at[src_v.at[j]], rows_v, sem).wait()
        pltpu.sync_copy(rows_v, acc_sh.at[dst_v.at[j]], add=True)
        return carry

    lax.fori_loop(0, CH, body, 0)
    plsc.subcore_barrier()
    for r in range(RPT // C):
        pltpu.sync_copy(acc_sh.at[pl.ds(s * RPT + r * C, C)], rows_v)
        pltpu.sync_copy(rows_v, out_hbm.at[pl.ds(c * NP + s * RPT + r * C, C)])


def _mm_body(feat_ref, w_ref, y_ref):
    y_ref[...] = jnp.dot(feat_ref[...], w_ref[...],
                         precision=lax.Precision.HIGHEST,
                         preferred_element_type=jnp.float32)


def _scale_body(y0_ref, deg_ref, y_ref):
    deg = jnp.sum(deg_ref[...], axis=0)
    scale = lax.rsqrt(jnp.maximum(deg, 1.0))
    y_ref[...] = y0_ref[...] * scale[:, None]


def _epi_body(agg_ref, deg_ref, bias_ref, pcw_ref, g_ref, b_ref, m_ref,
              v_ref, paw_ref, out_ref):
    a = agg_ref[0] + agg_ref[1]
    deg = jnp.sum(deg_ref[...], axis=0)
    a = a * lax.rsqrt(jnp.maximum(deg, 1.0))[:, None]
    h = a + bias_ref[...]
    pcw = pcw_ref[0, 0]
    h = jnp.where(h >= 0, h, pcw * h)
    h = (h - m_ref[...]) * lax.rsqrt(v_ref[...] + 1e-5) * g_ref[...] + b_ref[...]
    paw = paw_ref[0, 0]
    out_ref[...] = jnp.where(h >= 0, h, paw * h)


_BR = 256


def kernel(feat, weight, bias, prelu_conv_w, bn_gamma, bn_beta, bn_mean,
           bn_var, prelu_act_w, edge_weight, graph, diff_graph):
    src = graph[0]
    dst = graph[1]
    pad = EP - E
    pad_idx = N + (jnp.arange(pad, dtype=jnp.int32) % NPAD)
    src_p = jnp.concatenate([src, pad_idx])
    dst_p = jnp.concatenate([dst, pad_idx])
    src_rs = src_p.reshape(NW, CH, C)
    dst_rs = dst_p.reshape(NW, CH, C)
    feat_pad = jnp.pad(feat, ((0, NP - N), (0, 0)))

    degs = _deg_kernel(src_rs, dst_rs).reshape(NC, 2, NP)
    deg_out_p = degs[:, 0]
    deg_in_p = degs[:, 1]

    y0 = pl.pallas_call(
        _mm_body,
        grid=(NP // _BR,),
        in_specs=[
            pl.BlockSpec((_BR, D), lambda i: (i, 0)),
            pl.BlockSpec((D, D), lambda i: (0, 0)),
        ],
        out_specs=pl.BlockSpec((_BR, D), lambda i: (i, 0)),
        out_shape=jax.ShapeDtypeStruct((NP, D), jnp.float32),
    )(feat_pad, weight)

    y = pl.pallas_call(
        _scale_body,
        grid=(NP // _BR,),
        in_specs=[
            pl.BlockSpec((_BR, D), lambda i: (i, 0)),
            pl.BlockSpec((NC, _BR), lambda i: (0, i)),
        ],
        out_specs=pl.BlockSpec((_BR, D), lambda i: (i, 0)),
        out_shape=jax.ShapeDtypeStruct((NP, D), jnp.float32),
    )(y0, deg_out_p)

    agg_parts = _agg_kernel(y, src_rs, dst_rs).reshape(NC, NP, D)

    vec = lambda a: a.reshape(1, D)
    scalar = lambda a: a.reshape(1, 1)
    h = pl.pallas_call(
        _epi_body,
        grid=(NP // _BR,),
        in_specs=[
            pl.BlockSpec((NC, _BR, D), lambda i: (0, i, 0)),
            pl.BlockSpec((NC, _BR), lambda i: (0, i)),
            pl.BlockSpec((1, D), lambda i: (0, 0)),
            pl.BlockSpec((1, 1), lambda i: (0, 0)),
            pl.BlockSpec((1, D), lambda i: (0, 0)),
            pl.BlockSpec((1, D), lambda i: (0, 0)),
            pl.BlockSpec((1, D), lambda i: (0, 0)),
            pl.BlockSpec((1, D), lambda i: (0, 0)),
            pl.BlockSpec((1, 1), lambda i: (0, 0)),
        ],
        out_specs=pl.BlockSpec((_BR, D), lambda i: (i, 0)),
        out_shape=jax.ShapeDtypeStruct((NP, D), jnp.float32),
    )(agg_parts, deg_in_p, vec(bias), scalar(prelu_conv_w), vec(bn_gamma),
      vec(bn_beta), vec(bn_mean), vec(bn_var), scalar(prelu_act_w))

    return h[:N]

# --- scband reference (transcript-rebuilt; emitter-appended) ---
"""Pipeline reference for scband-encoder1-25031069401690 (READ-ONLY COPY).

The authoritative reference and input builder live on the scoring server;
editing this copy changes nothing except your own understanding.
"""

import jax, jax.numpy as jnp
import numpy as np

N_NODES = 10000
N_EDGES = 320000
D = 128


def prelu(x, a):
    return jnp.where(x >= 0, x, a * x)


def setup_inputs(seed: int = 0) -> dict:
    key = jax.random.key(seed)
    ks = jax.random.split(key, 8)
    feat = jax.random.normal(ks[0], (N_NODES, D), dtype=jnp.float32)
    graph = jax.random.randint(ks[1], (2, N_EDGES), 0, N_NODES, dtype=jnp.int32)
    diff_graph = jax.random.randint(ks[2], (2, N_EDGES), 0, N_NODES, dtype=jnp.int32)
    edge_weight = jax.random.uniform(ks[3], (N_EDGES,), dtype=jnp.float32)
    # GraphConv parameters (in_hidden=out_hidden=128)
    weight = jax.random.normal(ks[4], (D, D), dtype=jnp.float32) * 0.05
    bias = jnp.zeros((D,), dtype=jnp.float32)
    prelu_conv_w = jnp.full((1,), 0.25, dtype=jnp.float32)  # GraphConv activation PReLU
    # BatchNorm (eval mode: running stats)
    bn_gamma = jnp.ones((D,), dtype=jnp.float32)
    bn_beta = jnp.zeros((D,), dtype=jnp.float32)
    bn_mean = jnp.zeros((D,), dtype=jnp.float32)
    bn_var = jnp.ones((D,), dtype=jnp.float32)
    prelu_act_w = jnp.full((1,), 0.25, dtype=jnp.float32)  # self.act PReLU
    return {
        "feat": feat,
        "weight": weight,
        "bias": bias,
        "prelu_conv_w": prelu_conv_w,
        "bn_gamma": bn_gamma,
        "bn_beta": bn_beta,
        "bn_mean": bn_mean,
        "bn_var": bn_var,
        "prelu_act_w": prelu_act_w,
        "edge_weight": edge_weight,
        "graph": graph,
        "diff_graph": diff_graph,
    }


def reference(feat, weight, bias, prelu_conv_w, bn_gamma, bn_beta, bn_mean, bn_var, prelu_act_w, edge_weight, graph, diff_graph):
    # dropout dp1 is identity in eval mode
    n = feat.shape[0]
    src = graph[0]
    dst = graph[1]
    # DGL GraphConv norm='both': D_dst^{-1/2} A D_src^{-1/2} X W + b, then PReLU
    ones_e = jnp.ones((src.shape[0],), dtype=jnp.float32)
    deg_out = jnp.clip(jax.ops.segment_sum(ones_e, src, num_segments=n), 1.0, None)
    deg_in = jnp.clip(jax.ops.segment_sum(ones_e, dst, num_segments=n), 1.0, None)
    x = feat * jax.lax.rsqrt(deg_out)[:, None]
    msg = jnp.take(x, src, axis=0)
    agg = jax.ops.segment_sum(msg, dst, num_segments=n)
    agg = agg * jax.lax.rsqrt(deg_in)[:, None]
    h = agg @ weight + bias
    h = prelu(h, prelu_conv_w)
    # BatchNorm1d in eval mode (running stats)
    h = (h - bn_mean) / jnp.sqrt(bn_var + 1e-5) * bn_gamma + bn_beta
    # final PReLU activation
    h = prelu(h, prelu_act_w)
    return h

if __name__ == "__main__":
    import jax
    _d = setup_inputs()
    print(jax.jit(kernel)(*tuple(_d.values())))

</pallas_src>

<mosaic_0001>
#map = affine_map<(d0, d1) -> (0, 0)>
#map1 = affine_map<(d0, d1) -> (0, 0, 0)>
module attributes {stable_mosaic.version = 14 : i64} {
  func.func @_agg_kernel(%arg0: i32, %arg1: i32, %arg2: memref<10240x128xf32, #tpu.memory_space<hbm>>, %arg3: memref<32x80x128xi32, #tpu.memory_space<hbm>>, %arg4: memref<32x80x128xi32, #tpu.memory_space<hbm>>, %arg5: memref<20480x128xf32, #tpu.memory_space<hbm>>, %arg6: memref<80x128xi32, #tpu.memory_space<vmem>>, %arg7: memref<80x128xi32, #tpu.memory_space<vmem>>, %arg8: memref<128x128xf32, #tpu.memory_space<vmem>>, %arg9: memref<10240x128xf32, #tpu.memory_space<vmem_shared>>, %arg10: memref<!tpu.dma_semaphore, #tpu.memory_space<semaphore_mem>>) attributes {dimension_semantics = [#tpu.dimension_semantics<core_parallel>, #tpu.dimension_semantics<subcore_parallel>], iteration_bounds = array<i64: 2, 16>, scalar_prefetch = 0 : i64, scratch_operands = 5 : i64, tpu.core_type = #tpu.core_type<sc_vector_subcore>, window_params = [{transform_indices = #map}, {transform_indices = #map1}, {transform_indices = #map1}, {transform_indices = #map}]} {
    %mul3A = arith.constant 2 : i32
    %mul3A_0 = arith.muli %arg1, %mul3A : i32
    %add3A = arith.addi %mul3A_0, %arg0 : i32
    "tpu.region"() ({
      %run_scoped3A = tpu.sem_alloc : memref<!tpu.dma_semaphore, #tpu.memory_space<semaphore_mem>>
      %dma_start3A = arith.constant 0 : i32
      %dma_start3A_89 = arith.constant 0 : i32
      %dma_start3A_90 = tpu.memref_slice %arg3[%add3A, %dma_start3A, %dma_start3A_89] : memref<32x80x128xi32, #tpu.memory_space<hbm>> -> memref<1x80x128xi32, #tpu.memory_space<hbm>>
      %dma_start3A_91 = tpu.memref_squeeze %dma_start3A_90 : memref<1x80x128xi32, #tpu.memory_space<hbm>> -> memref<80x128xi32, #tpu.memory_space<hbm>>
      %dma_start3A_92 = arith.constant 0 : i32
      %dma_start3A_93 = arith.constant 0 : i32
      %dma_start3A_94 = tpu.memref_slice %arg3[%add3A, %dma_start3A_92, %dma_start3A_93] : memref<32x80x128xi32, #tpu.memory_space<hbm>> -> memref<1x80x128xi32, #tpu.memory_space<hbm>>
      %dma_start3A_95 = tpu.memref_squeeze %dma_start3A_94 : memref<1x80x128xi32, #tpu.memory_space<hbm>> -> memref<80x128xi32, #tpu.memory_space<hbm>>
      tpu.enqueue_dma source(%dma_start3A_95 : memref<80x128xi32, #tpu.memory_space<hbm>>) target(%arg6 : memref<80x128xi32, #tpu.memory_space<vmem>>) target_semaphore(%run_scoped3A : memref<!tpu.dma_semaphore, #tpu.memory_space<semaphore_mem>>)
      %dma_wait3A = arith.constant 0 : i32
      %dma_wait3A_96 = arith.constant 0 : i32
      %dma_wait3A_97 = tpu.memref_slice %arg3[%add3A, %dma_wait3A, %dma_wait3A_96] : memref<32x80x128xi32, #tpu.memory_space<hbm>> -> memref<1x80x128xi32, #tpu.memory_space<hbm>>
      %dma_wait3A_98 = tpu.memref_squeeze %dma_wait3A_97 : memref<1x80x128xi32, #tpu.memory_space<hbm>> -> memref<80x128xi32, #tpu.memory_space<hbm>>
      %dma_wait3A_99 = arith.constant 0 : i32
      %dma_wait3A_100 = arith.constant 0 : i32
      %dma_wait3A_101 = tpu.memref_slice %arg3[%add3A, %dma_wait3A_99, %dma_wait3A_100] : memref<32x80x128xi32, #tpu.memory_space<hbm>> -> memref<1x80x128xi32, #tpu.memory_space<hbm>>
      %dma_wait3A_102 = tpu.memref_squeeze %dma_wait3A_101 : memref<1x80x128xi32, #tpu.memory_space<hbm>> -> memref<80x128xi32, #tpu.memory_space<hbm>>
      tpu.wait_dma2 semaphore(%run_scoped3A : memref<!tpu.dma_semaphore, #tpu.memory_space<semaphore_mem>>) src(%dma_wait3A_102 : memref<80x128xi32, #tpu.memory_space<hbm>>) dst(%arg6 : memref<80x128xi32, #tpu.memory_space<vmem>>)
      tpu.yield
    }) : () -> ()
    "tpu.region"() ({
      %run_scoped3A = tpu.sem_alloc : memref<!tpu.dma_semaphore, #tpu.memory_space<semaphore_mem>>
      %dma_start3A = arith.constant 0 : i32
      %dma_start3A_89 = arith.constant 0 : i32
      %dma_start3A_90 = tpu.memref_slice %arg4[%add3A, %dma_start3A, %dma_start3A_89] : memref<32x80x128xi32, #tpu.memory_space<hbm>> -> memref<1x80x128xi32, #tpu.memory_space<hbm>>
      %dma_start3A_91 = tpu.memref_squeeze %dma_start3A_90 : memref<1x80x128xi32, #tpu.memory_space<hbm>> -> memref<80x128xi32, #tpu.memory_space<hbm>>
      %dma_start3A_92 = arith.constant 0 : i32
      %dma_start3A_93 = arith.constant 0 : i32
      %dma_start3A_94 = tpu.memref_slice %arg4[%add3A, %dma_start3A_92, %dma_start3A_93] : memref<32x80x128xi32, #tpu.memory_space<hbm>> -> memref<1x80x128xi32, #tpu.memory_space<hbm>>
      %dma_start3A_95 = tpu.memref_squeeze %dma_start3A_94 : memref<1x80x128xi32, #tpu.memory_space<hbm>> -> memref<80x128xi32, #tpu.memory_space<hbm>>
      tpu.enqueue_dma source(%dma_start3A_95 : memref<80x128xi32, #tpu.memory_space<hbm>>) target(%arg7 : memref<80x128xi32, #tpu.memory_space<vmem>>) target_semaphore(%run_scoped3A : memref<!tpu.dma_semaphore, #tpu.memory_space<semaphore_mem>>)
      %dma_wait3A = arith.constant 0 : i32
      %dma_wait3A_96 = arith.constant 0 : i32
      %dma_wait3A_97 = tpu.memref_slice %arg4[%add3A, %dma_wait3A, %dma_wait3A_96] : memref<32x80x128xi32, #tpu.memory_space<hbm>> -> memref<1x80x128xi32, #tpu.memory_space<hbm>>
      %dma_wait3A_98 = tpu.memref_squeeze %dma_wait3A_97 : memref<1x80x128xi32, #tpu.memory_space<hbm>> -> memref<80x128xi32, #tpu.memory_space<hbm>>
      %dma_wait3A_99 = arith.constant 0 : i32
      %dma_wait3A_100 = arith.constant 0 : i32
      %dma_wait3A_101 = tpu.memref_slice %arg4[%add3A, %dma_wait3A_99, %dma_wait3A_100] : memref<32x80x128xi32, #tpu.memory_space<hbm>> -> memref<1x80x128xi32, #tpu.memory_space<hbm>>
      %dma_wait3A_102 = tpu.memref_squeeze %dma_wait3A_101 : memref<1x80x128xi32, #tpu.memory_space<hbm>> -> memref<80x128xi32, #tpu.memory_space<hbm>>
      tpu.wait_dma2 semaphore(%run_scoped3A : memref<!tpu.dma_semaphore, #tpu.memory_space<semaphore_mem>>) src(%dma_wait3A_102 : memref<80x128xi32, #tpu.memory_space<hbm>>) dst(%arg7 : memref<80x128xi32, #tpu.memory_space<vmem>>)
      tpu.yield
    }) : () -> ()
    %broadcast_in_dim3A = arith.constant 0.000000e+00 : f32
    %broadcast_in_dim3A_1 = vector.broadcast %broadcast_in_dim3A : f32 to vector<16xf32>
    %scan3A = arith.constant 0 : i32
    %scan3A_2 = arith.constant 0 : i32
    %scan3A_3 = arith.constant 128 : i32
    %scan3A_4 = arith.addi %scan3A_2, %scan3A_3 : i32
    %scan3A_5 = arith.constant 1 : i32
    scf.for %scan3A_89 = %scan3A_2 to %scan3A_4 step %scan3A_5  : i32 {
      %scan3A_90 = arith.constant 0 : i32
      %scan3A_91 = arith.constant 8 : i32
      %scan3A_92 = arith.addi %scan3A_90, %scan3A_91 : i32
      %scan3A_93 = arith.constant 1 : i32
      scf.for %scan3A_95 = %scan3A_90 to %scan3A_92 step %scan3A_93  : i32 {
        %mul3A_96 = arith.constant 16 : i32
        %mul3A_97 = arith.muli %scan3A_95, %mul3A_96 : i32
        %swap3A = arith.index_cast %scan3A_89 : i32 to index
        %swap3A_98 = arith.index_cast %mul3A_97 : i32 to index
        %swap3A_99 = tpu.vector_load %arg8[%swap3A, %swap3A_98] {strides = array<i32>} : memref<128x128xf32, #tpu.memory_space<vmem>>, vector<1x16xf32>,
        %swap3A_100 = vector.shape_cast %swap3A_99 : vector<1x16xf32> to vector<16xf32>
        %swap3A_101 = vector.shape_cast %broadcast_in_dim3A_1 : vector<16xf32> to vector<1x16xf32>
        tpu.vector_store %arg8[%swap3A, %swap3A_98], %swap3A_101 {strides = array<i32>} : memref<128x128xf32, #tpu.memory_space<vmem>>, vector<1x16xf32>,
      }
      %scan3A_94 = arith.constant 8 : i32
    }
    %scan3A_6 = arith.constant 128 : i32
    %mul3A_7 = arith.constant 640 : i32
    %mul3A_8 = arith.muli %arg1, %mul3A_7 : i32
    %add3A_9 = arith.constant 0 : i32
    %add3A_10 = arith.addi %mul3A_8, %add3A_9 : i32
    "tpu.region"() ({
      %run_scoped3A = tpu.sem_alloc : memref<!tpu.dma_semaphore, #tpu.memory_space<semaphore_mem>>
      %dma_start3A = arith.constant 0 : i32
      %dma_start3A_89 = tpu.memref_slice %arg9[%add3A_10, %dma_start3A] : memref<10240x128xf32, #tpu.memory_space<vmem_shared>> -> memref<128x128xf32, #tpu.memory_space<vmem_shared>>
      %dma_start3A_90 = arith.constant 0 : i32
      %dma_start3A_91 = tpu.memref_slice %arg9[%add3A_10, %dma_start3A_90] : memref<10240x128xf32, #tpu.memory_space<vmem_shared>> -> memref<128x128xf32, #tpu.memory_space<vmem_shared>>
      tpu.enqueue_dma source(%arg8 : memref<128x128xf32, #tpu.memory_space<vmem>>) target(%dma_start3A_91 : memref<128x128xf32, #tpu.memory_space<vmem_shared>>) target_semaphore(%run_scoped3A : memref<!tpu.dma_semaphore, #tpu.memory_space<semaphore_mem>>)
      %dma_wait3A = arith.constant 0 : i32
      %dma_wait3A_92 = tpu.memref_slice %arg9[%add3A_10, %dma_wait3A] : memref<10240x128xf32, #tpu.memory_space<vmem_shared>> -> memref<128x128xf32, #tpu.memory_space<vmem_shared>>
      %dma_wait3A_93 = arith.constant 0 : i32
      %dma_wait3A_94 = tpu.memref_slice %arg9[%add3A_10, %dma_wait3A_93] : memref<10240x128xf32, #tpu.memory_space<vmem_shared>> -> memref<128x128xf32, #tpu.memory_space<vmem_shared>>
      tpu.wait_dma2 semaphore(%run_scoped3A : memref<!tpu.dma_semaphore, #tpu.memory_space<semaphore_mem>>) src(%arg8 : memref<128x128xf32, #tpu.memory_space<vmem>>) dst(%dma_wait3A_94 : memref<128x128xf32, #tpu.memory_space<vmem_shared>>)
      tpu.yield
    }) : () -> ()
    %mul3A_11 = arith.constant 640 : i32
    %mul3A_12 = arith.muli %arg1, %mul3A_11 : i32
    %add3A_13 = arith.constant 128 : i32
    %add3A_14 = arith.addi %mul3A_12, %add3A_13 : i32
    "tpu.region"() ({
      %run_scoped3A = tpu.sem_alloc : memref<!tpu.dma_semaphore, #tpu.memory_space<semaphore_mem>>
      %dma_start3A = arith.constant 0 : i32
      %dma_start3A_89 = tpu.memref_slice %arg9[%add3A_14, %dma_start3A] : memref<10240x128xf32, #tpu.memory_space<vmem_shared>> -> memref<128x128xf32, #tpu.memory_space<vmem_shared>>
      %dma_start3A_90 = arith.constant 0 : i32
      %dma_start3A_91 = tpu.memref_slice %arg9[%add3A_14, %dma_start3A_90] : memref<10240x128xf32, #tpu.memory_space<vmem_shared>> -> memref<128x128xf32, #tpu.memory_space<vmem_shared>>
      tpu.enqueue_dma source(%arg8 : memref<128x128xf32, #tpu.memory_space<vmem>>) target(%dma_start3A_91 : memref<128x128xf32, #tpu.memory_space<vmem_shared>>) target_semaphore(%run_scoped3A : memref<!tpu.dma_semaphore, #tpu.memory_space<semaphore_mem>>)
      %dma_wait3A = arith.constant 0 : i32
      %dma_wait3A_92 = tpu.memref_slice %arg9[%add3A_14, %dma_wait3A] : memref<10240x128xf32, #tpu.memory_space<vmem_shared>> -> memref<128x128xf32, #tpu.memory_space<vmem_shared>>
      %dma_wait3A_93 = arith.constant 0 : i32
      %dma_wait3A_94 = tpu.memref_slice %arg9[%add3A_14, %dma_wait3A_93] : memref<10240x128xf32, #tpu.memory_space<vmem_shared>> -> memref<128x128xf32, #tpu.memory_space<vmem_shared>>
      tpu.wait_dma2 semaphore(%run_scoped3A : memref<!tpu.dma_semaphore, #tpu.memory_space<semaphore_mem>>) src(%arg8 : memref<128x128xf32, #tpu.memory_space<vmem>>) dst(%dma_wait3A_94 : memref<128x128xf32, #tpu.memory_space<vmem_shared>>)
      tpu.yield
    }) : () -> ()
    %mul3A_15 = arith.constant 640 : i32
    %mul3A_16 = arith.muli %arg1, %mul3A_15 : i32
    %add3A_17 = arith.constant 256 : i32
    %add3A_18 = arith.addi %mul3A_16, %add3A_17 : i32
    "tpu.region"() ({
      %run_scoped3A = tpu.sem_alloc : memref<!tpu.dma_semaphore, #tpu.memory_space<semaphore_mem>>
      %dma_start3A = arith.constant 0 : i32
      %dma_start3A_89 = tpu.memref_slice %arg9[%add3A_18, %dma_start3A] : memref<10240x128xf32, #tpu.memory_space<vmem_shared>> -> memref<128x128xf32, #tpu.memory_space<vmem_shared>>
      %dma_start3A_90 = arith.constant 0 : i32
      %dma_start3A_91 = tpu.memref_slice %arg9[%add3A_18, %dma_start3A_90] : memref<10240x128xf32, #tpu.memory_space<vmem_shared>> -> memref<128x128xf32, #tpu.memory_space<vmem_shared>>
      tpu.enqueue_dma source(%arg8 : memref<128x128xf32, #tpu.memory_space<vmem>>) target(%dma_start3A_91 : memref<128x128xf32, #tpu.memory_space<vmem_shared>>) target_semaphore(%run_scoped3A : memref<!tpu.dma_semaphore, #tpu.memory_space<semaphore_mem>>)
      %dma_wait3A = arith.constant 0 : i32
      %dma_wait3A_92 = tpu.memref_slice %arg9[%add3A_18, %dma_wait3A] : memref<10240x128xf32, #tpu.memory_space<vmem_shared>> -> memref<128x128xf32, #tpu.memory_space<vmem_shared>>
      %dma_wait3A_93 = arith.constant 0 : i32
      %dma_wait3A_94 = tpu.memref_slice %arg9[%add3A_18, %dma_wait3A_93] : memref<10240x128xf32, #tpu.memory_space<vmem_shared>> -> memref<128x128xf32, #tpu.memory_space<vmem_shared>>
      tpu.wait_dma2 semaphore(%run_scoped3A : memref<!tpu.dma_semaphore, #tpu.memory_space<semaphore_mem>>) src(%arg8 : memref<128x128xf32, #tpu.memory_space<vmem>>) dst(%dma_wait3A_94 : memref<128x128xf32, #tpu.memory_space<vmem_shared>>)
      tpu.yield
    }) : () -> ()
    %mul3A_19 = arith.constant 640 : i32
    %mul3A_20 = arith.muli %arg1, %mul3A_19 : i32
    %add3A_21 = arith.constant 384 : i32
    %add3A_22 = arith.addi %mul3A_20, %add3A_21 : i32
    "tpu.region"() ({
      %run_scoped3A = tpu.sem_alloc : memref<!tpu.dma_semaphore, #tpu.memory_space<semaphore_mem>>
      %dma_start3A = arith.constant 0 : i32
      %dma_start3A_89 = tpu.memref_slice %arg9[%add3A_22, %dma_start3A] : memref<10240x128xf32, #tpu.memory_space<vmem_shared>> -> memref<128x128xf32, #tpu.memory_space<vmem_shared>>
      %dma_start3A_90 = arith.constant 0 : i32
      %dma_start3A_91 = tpu.memref_slice %arg9[%add3A_22, %dma_start3A_90] : memref<10240x128xf32, #tpu.memory_space<vmem_shared>> -> memref<128x128xf32, #tpu.memory_space<vmem_shared>>
      tpu.enqueue_dma source(%arg8 : memref<128x128xf32, #tpu.memory_space<vmem>>) target(%dma_start3A_91 : memref<128x128xf32, #tpu.memory_space<vmem_shared>>) target_semaphore(%run_scoped3A : memref<!tpu.dma_semaphore, #tpu.memory_space<semaphore_mem>>)
      %dma_wait3A = arith.constant 0 : i32
      %dma_wait3A_92 = tpu.memref_slice %arg9[%add3A_22, %dma_wait3A] : memref<10240x128xf32, #tpu.memory_space<vmem_shared>> -> memref<128x128xf32, #tpu.memory_space<vmem_shared>>
      %dma_wait3A_93 = arith.constant 0 : i32
      %dma_wait3A_94 = tpu.memref_slice %arg9[%add3A_22, %dma_wait3A_93] : memref<10240x128xf32, #tpu.memory_space<vmem_shared>> -> memref<128x128xf32, #tpu.memory_space<vmem_shared>>
      tpu.wait_dma2 semaphore(%run_scoped3A : memref<!tpu.dma_semaphore, #tpu.memory_space<semaphore_mem>>) src(%arg8 : memref<128x128xf32, #tpu.memory_space<vmem>>) dst(%dma_wait3A_94 : memref<128x128xf32, #tpu.memory_space<vmem_shared>>)
      tpu.yield
    }) : () -> ()
    %mul3A_23 = arith.constant 640 : i32
    %mul3A_24 = arith.muli %arg1, %mul3A_23 : i32
    %add3A_25 = arith.constant 512 : i32
    %add3A_26 = arith.addi %mul3A_24, %add3A_25 : i32
    "tpu.region"() ({
      %run_scoped3A = tpu.sem_alloc : memref<!tpu.dma_semaphore, #tpu.memory_space<semaphore_mem>>
      %dma_start3A = arith.constant 0 : i32
      %dma_start3A_89 = tpu.memref_slice %arg9[%add3A_26, %dma_start3A] : memref<10240x128xf32, #tpu.memory_space<vmem_shared>> -> memref<128x128xf32, #tpu.memory_space<vmem_shared>>
      %dma_start3A_90 = arith.constant 0 : i32
      %dma_start3A_91 = tpu.memref_slice %arg9[%add3A_26, %dma_start3A_90] : memref<10240x128xf32, #tpu.memory_space<vmem_shared>> -> memref<128x128xf32, #tpu.memory_space<vmem_shared>>
      tpu.enqueue_dma source(%arg8 : memref<128x128xf32, #tpu.memory_space<vmem>>) target(%dma_start3A_91 : memref<128x128xf32, #tpu.memory_space<vmem_shared>>) target_semaphore(%run_scoped3A : memref<!tpu.dma_semaphore, #tpu.memory_space<semaphore_mem>>)
      %dma_wait3A = arith.constant 0 : i32
      %dma_wait3A_92 = tpu.memref_slice %arg9[%add3A_26, %dma_wait3A] : memref<10240x128xf32, #tpu.memory_space<vmem_shared>> -> memref<128x128xf32, #tpu.memory_space<vmem_shared>>
      %dma_wait3A_93 = arith.constant 0 : i32
      %dma_wait3A_94 = tpu.memref_slice %arg9[%add3A_26, %dma_wait3A_93] : memref<10240x128xf32, #tpu.memory_space<vmem_shared>> -> memref<128x128xf32, #tpu.memory_space<vmem_shared>>
      tpu.wait_dma2 semaphore(%run_scoped3A : memref<!tpu.dma_semaphore, #tpu.memory_space<semaphore_mem>>) src(%arg8 : memref<128x128xf32, #tpu.memory_space<vmem>>) dst(%dma_wait3A_94 : memref<128x128xf32, #tpu.memory_space<vmem_shared>>)
      tpu.yield
    }) : () -> ()
    %barrier3A = arith.constant 0 : index
    tpu.barrier barrier_id(%barrier3A)
    %scan3A_27 = arith.constant 0 : i32
    %scan3A_28 = arith.constant 0 : i32
    %scan3A_29 = arith.constant 80 : i32
    %scan3A_30 = arith.addi %scan3A_28, %scan3A_29 : i32
    %scan3A_31 = arith.constant 1 : i32
    scf.for %scan3A_89 = %scan3A_28 to %scan3A_30 step %scan3A_31  : i32 {
      %dma_start3A = arith.constant 0 : i32
      %dma_start3A_90 = tpu.memref_slice %arg6[%scan3A_89, %dma_start3A] : memref<80x128xi32, #tpu.memory_space<vmem>> -> memref<1x128xi32, #tpu.memory_space<vmem>>
      %dma_start3A_91 = tpu.memref_squeeze %dma_start3A_90 : memref<1x128xi32, #tpu.memory_space<vmem>> -> memref<128xi32, #tpu.memory_space<vmem>>
      %dma_start3A_92 = arith.constant 0 : i32
      %dma_start3A_93 = arith.constant 0 : i32
      %dma_start3A_94 = tpu.memref_slice %arg2[%dma_start3A_92, %dma_start3A_93] : memref<10240x128xf32, #tpu.memory_space<hbm>> -> memref<10240x128xf32, #tpu.memory_space<hbm>>
      tpu.enqueue_indirect_dma source(%dma_start3A_94 : memref<10240x128xf32, #tpu.memory_space<hbm>>) target(%arg8 : memref<128x128xf32, #tpu.memory_space<vmem>>) offsets(%dma_start3A_91 : memref<128xi32, #tpu.memory_space<vmem>>) semaphore(%arg10 : memref<!tpu.dma_semaphore, #tpu.memory_space<semaphore_mem>>)
      %dma_wait3A = arith.constant 0 : i32
      %dma_wait3A_95 = tpu.memref_slice %arg6[%scan3A_89, %dma_wait3A] : memref<80x128xi32, #tpu.memory_space<vmem>> -> memref<1x128xi32, #tpu.memory_space<vmem>>
      %dma_wait3A_96 = tpu.memref_squeeze %dma_wait3A_95 : memref<1x128xi32, #tpu.memory_space<vmem>> -> memref<128xi32, #tpu.memory_space<vmem>>
      %dma_wait3A_97 = arith.constant 0 : i32
      %dma_wait3A_98 = arith.constant 0 : i32
      %dma_wait3A_99 = tpu.memref_slice %arg2[%dma_wait3A_97, %dma_wait3A_98] : memref<10240x128xf32, #tpu.memory_space<hbm>> -> memref<10240x128xf32, #tpu.memory_space<hbm>>
      tpu.wait_indirect_dma semaphore(%arg10 : memref<!tpu.dma_semaphore, #tpu.memory_space<semaphore_mem>>) src(%dma_wait3A_99 : memref<10240x128xf32, #tpu.memory_space<hbm>>) dst(%arg8 : memref<128x128xf32, #tpu.memory_space<vmem>>)
      "tpu.region"() ({
        %run_scoped3A = tpu.sem_alloc : memref<!tpu.dma_semaphore, #tpu.memory_space<semaphore_mem>>
        %dma_start3A_100 = arith.constant 0 : i32
        %dma_start3A_101 = tpu.memref_slice %arg7[%scan3A_89, %dma_start3A_100] : memref<80x128xi32, #tpu.memory_space<vmem>> -> memref<1x128xi32, #tpu.memory_space<vmem>>
        %dma_start3A_102 = tpu.memref_squeeze %dma_start3A_101 : memref<1x128xi32, #tpu.memory_space<vmem>> -> memref<128xi32, #tpu.memory_space<vmem>>
        %dma_start3A_103 = arith.constant 0 : i32
        %dma_start3A_104 = arith.constant 0 : i32
        %dma_start3A_105 = tpu.memref_slice %arg9[%dma_start3A_103, %dma_start3A_104] : memref<10240x128xf32, #tpu.memory_space<vmem_shared>> -> memref<10240x128xf32, #tpu.memory_space<vmem_shared>>
        tpu.enqueue_indirect_dma source(%arg8 : memref<128x128xf32, #tpu.memory_space<vmem>>) target(%dma_start3A_105 : memref<10240x128xf32, #tpu.memory_space<vmem_shared>>) offsets(%dma_start3A_102 : memref<128xi32, #tpu.memory_space<vmem>>) semaphore(%run_scoped3A : memref<!tpu.dma_semaphore, #tpu.memory_space<semaphore_mem>>) {add = true}
        %dma_wait3A_106 = arith.constant 0 : i32
        %dma_wait3A_107 = tpu.memref_slice %arg7[%scan3A_89, %dma_wait3A_106] : memref<80x128xi32, #tpu.memory_space<vmem>> -> memref<1x128xi32, #tpu.memory_space<vmem>>
        %dma_wait3A_108 = tpu.memref_squeeze %dma_wait3A_107 : memref<1x128xi32, #tpu.memory_space<vmem>> -> memref<128xi32, #tpu.memory_space<vmem>>
        %dma_wait3A_109 = arith.constant 0 : i32
        %dma_wait3A_110 = arith.constant 0 : i32
        %dma_wait3A_111 = tpu.memref_slice %arg9[%dma_wait3A_109, %dma_wait3A_110] : memref<10240x128xf32, #tpu.memory_space<vmem_shared>> -> memref<10240x128xf32, #tpu.memory_space<vmem_shared>>
        tpu.wait_indirect_dma semaphore(%run_scoped3A : memref<!tpu.dma_semaphore, #tpu.memory_space<semaphore_mem>>) src(%arg8 : memref<128x128xf32, #tpu.memory_space<vmem>>) dst(%dma_wait3A_111 : memref<10240x128xf32, #tpu.memory_space<vmem_shared>>)
        tpu.yield
      }) : () -> ()
    }
    %scan3A_32 = arith.constant 80 : i32
    %barrier3A_33 = arith.constant 0 : index
    tpu.barrier barrier_id(%barrier3A_33)
    %mul3A_34 = arith.constant 640 : i32
    %mul3A_35 = arith.muli %arg1, %mul3A_34 : i32
    %add3A_36 = arith.constant 0 : i32
    %add3A_37 = arith.addi %mul3A_35, %add3A_36 : i32
    "tpu.region"() ({
      %run_scoped3A = tpu.sem_alloc : memref<!tpu.dma_semaphore, #tpu.memory_space<semaphore_mem>>
      %dma_start3A = arith.constant 0 : i32
      %dma_start3A_89 = tpu.memref_slice %arg9[%add3A_37, %dma_start3A] : memref<10240x128xf32, #tpu.memory_space<vmem_shared>> -> memref<128x128xf32, #tpu.memory_space<vmem_shared>>
      %dma_start3A_90 = arith.constant 0 : i32
      %dma_start3A_91 = tpu.memref_slice %arg9[%add3A_37, %dma_start3A_90] : memref<10240x128xf32, #tpu.memory_space<vmem_shared>> -> memref<128x128xf32, #tpu.memory_space<vmem_shared>>
      tpu.enqueue_dma source(%dma_start3A_91 : memref<128x128xf32, #tpu.memory_space<vmem_shared>>) target(%arg8 : memref<128x128xf32, #tpu.memory_space<vmem>>) target_semaphore(%run_scoped3A : memref<!tpu.dma_semaphore, #tpu.memory_space<semaphore_mem>>)
      %dma_wait3A = arith.constant 0 : i32
      %dma_wait3A_92 = tpu.memref_slice %arg9[%add3A_37, %dma_wait3A] : memref<10240x128xf32, #tpu.memory_space<vmem_shared>> -> memref<128x128xf32, #tpu.memory_space<vmem_shared>>
      %dma_wait3A_93 = arith.constant 0 : i32
      %dma_wait3A_94 = tpu.memref_slice %arg9[%add3A_37, %dma_wait3A_93] : memref<10240x128xf32, #tpu.memory_space<vmem_shared>> -> memref<128x128xf32, #tpu.memory_space<vmem_shared>>
      tpu.wait_dma2 semaphore(%run_scoped3A : memref<!tpu.dma_semaphore, #tpu.memory_space<semaphore_mem>>) src(%dma_wait3A_94 : memref<128x128xf32, #tpu.memory_space<vmem_shared>>) dst(%arg8 : memref<128x128xf32, #tpu.memory_space<vmem>>)
      tpu.yield
    }) : () -> ()
    %mul3A_38 = arith.constant 10240 : i32
    %mul3A_39 = arith.muli %arg0, %mul3A_38 : i32
    %mul3A_40 = arith.constant 640 : i32
    %mul3A_41 = arith.muli %arg1, %mul3A_40 : i32
    %add3A_42 = arith.addi %mul3A_39, %mul3A_41 : i32
    %add3A_43 = arith.constant 0 : i32
    %add3A_44 = arith.addi %add3A_42, %add3A_43 : i32
    "tpu.region"() ({
      %run_scoped3A = tpu.sem_alloc : memref<!tpu.dma_semaphore, #tpu.memory_space<semaphore_mem>>
      %dma_start3A = arith.constant 0 : i32
      %dma_start3A_89 = tpu.memref_slice %arg5[%add3A_44, %dma_start3A] : memref<20480x128xf32, #tpu.memory_space<hbm>> -> memref<128x128xf32, #tpu.memory_space<hbm>>
      %dma_start3A_90 = arith.constant 0 : i32
      %dma_start3A_91 = tpu.memref_slice %arg5[%add3A_44, %dma_start3A_90] : memref<20480x128xf32, #tpu.memory_space<hbm>> -> memref<128x128xf32, #tpu.memory_space<hbm>>
      tpu.enqueue_dma source(%arg8 : memref<128x128xf32, #tpu.memory_space<vmem>>) target(%dma_start3A_91 : memref<128x128xf32, #tpu.memory_space<hbm>>) target_semaphore(%run_scoped3A : memref<!tpu.dma_semaphore, #tpu.memory_space<semaphore_mem>>)
      %dma_wait3A = arith.constant 0 : i32
      %dma_wait3A_92 = tpu.memref_slice %arg5[%add3A_44, %dma_wait3A] : memref<20480x128xf32, #tpu.memory_space<hbm>> -> memref<128x128xf32, #tpu.memory_space<hbm>>
      %dma_wait3A_93 = arith.constant 0 : i32
      %dma_wait3A_94 = tpu.memref_slice %arg5[%add3A_44, %dma_wait3A_93] : memref<20480x128xf32, #tpu.memory_space<hbm>> -> memref<128x128xf32, #tpu.memory_space<hbm>>
      tpu.wait_dma2 semaphore(%run_scoped3A : memref<!tpu.dma_semaphore, #tpu.memory_space<semaphore_mem>>) src(%arg8 : memref<128x128xf32, #tpu.memory_space<vmem>>) dst(%dma_wait3A_94 : memref<128x128xf32, #tpu.memory_space<hbm>>)
      tpu.yield
    }) : () -> ()
    %mul3A_45 = arith.constant 640 : i32
    %mul3A_46 = arith.muli %arg1, %mul3A_45 : i32
    %add3A_47 = arith.constant 128 : i32
    %add3A_48 = arith.addi %mul3A_46, %add3A_47 : i32
    "tpu.region"() ({
      %run_scoped3A = tpu.sem_alloc : memref<!tpu.dma_semaphore, #tpu.memory_space<semaphore_mem>>
      %dma_start3A = arith.constant 0 : i32
      %dma_start3A_89 = tpu.memref_slice %arg9[%add3A_48, %dma_start3A] : memref<10240x128xf32, #tpu.memory_space<vmem_shared>> -> memref<128x128xf32, #tpu.memory_space<vmem_shared>>
      %dma_start3A_90 = arith.constant 0 : i32
      %dma_start3A_91 = tpu.memref_slice %arg9[%add3A_48, %dma_start3A_90] : memref<10240x128xf32, #tpu.memory_space<vmem_shared>> -> memref<128x128xf32, #tpu.memory_space<vmem_shared>>
      tpu.enqueue_dma source(%dma_start3A_91 : memref<128x128xf32, #tpu.memory_space<vmem_shared>>) target(%arg8 : memref<128x128xf32, #tpu.memory_space<vmem>>) target_semaphore(%run_scoped3A : memref<!tpu.dma_semaphore, #tpu.memory_space<semaphore_mem>>)
      %dma_wait3A = arith.constant 0 : i32
      %dma_wait3A_92 = tpu.memref_slice %arg9[%add3A_48, %dma_wait3A] : memref<10240x128xf32, #tpu.memory_space<vmem_shared>> -> memref<128x128xf32, #tpu.memory_space<vmem_shared>>
      %dma_wait3A_93 = arith.constant 0 : i32
      %dma_wait3A_94 = tpu.memref_slice %arg9[%add3A_48, %dma_wait3A_93] : memref<10240x128xf32, #tpu.memory_space<vmem_shared>> -> memref<128x128xf32, #tpu.memory_space<vmem_shared>>
      tpu.wait_dma2 semaphore(%run_scoped3A : memref<!tpu.dma_semaphore, #tpu.memory_space<semaphore_mem>>) src(%dma_wait3A_94 : memref<128x128xf32, #tpu.memory_space<vmem_shared>>) dst(%arg8 : memref<128x128xf32, #tpu.memory_space<vmem>>)
      tpu.yield
    }) : () -> ()
    %mul3A_49 = arith.constant 10240 : i32
    %mul3A_50 = arith.muli %arg0, %mul3A_49 : i32
    %mul3A_51 = arith.constant 640 : i32
    %mul3A_52 = arith.muli %arg1, %mul3A_51 : i32
    %add3A_53 = arith.addi %mul3A_50, %mul3A_52 : i32
    %add3A_54 = arith.constant 128 : i32
    %add3A_55 = arith.addi %add3A_53, %add3A_54 : i32
    "tpu.region"() ({
      %run_scoped3A = tpu.sem_alloc : memref<!tpu.dma_semaphore, #tpu.memory_space<semaphore_mem>>
      %dma_start3A = arith.constant 0 : i32
      %dma_start3A_89 = tpu.memref_slice %arg5[%add3A_55, %dma_start3A] : memref<20480x128xf32, #tpu.memory_space<hbm>> -> memref<128x128xf32, #tpu.memory_space<hbm>>
      %dma_start3A_90 = arith.constant 0 : i32
      %dma_start3A_91 = tpu.memref_slice %arg5[%add3A_55, %dma_start3A_90] : memref<20480x128xf32, #tpu.memory_space<hbm>> -> memref<128x128xf32, #tpu.memory_space<hbm>>
      tpu.enqueue_dma source(%arg8 : memref<128x128xf32, #tpu.memory_space<vmem>>) target(%dma_start3A_91 : memref<128x128xf32, #tpu.memory_space<hbm>>) target_semaphore(%run_scoped3A : memref<!tpu.dma_semaphore, #tpu.memory_space<semaphore_mem>>)
      %dma_wait3A = arith.constant 0 : i32
      %dma_wait3A_92 = tpu.memref_slice %arg5[%add3A_55, %dma_wait3A] : memref<20480x128xf32, #tpu.memory_space<hbm>> -> memref<128x128xf32, #tpu.memory_space<hbm>>
      %dma_wait3A_93 = arith.constant 0 : i32
      %dma_wait3A_94 = tpu.memref_slice %arg5[%add3A_55, %dma_wait3A_93] : memref<20480x128xf32, #tpu.memory_space<hbm>> -> memref<128x128xf32, #tpu.memory_space<hbm>>
      tpu.wait_dma2 semaphore(%run_scoped3A : memref<!tpu.dma_semaphore, #tpu.memory_space<semaphore_mem>>) src(%arg8 : memref<128x128xf32, #tpu.memory_space<vmem>>) dst(%dma_wait3A_94 : memref<128x128xf32, #tpu.memory_space<hbm>>)
      tpu.yield
    }) : () -> ()
    %mul3A_56 = arith.constant 640 : i32
    %mul3A_57 = arith.muli %arg1, %mul3A_56 : i32
    %add3A_58 = arith.constant 256 : i32
    %add3A_59 = arith.addi %mul3A_57, %add3A_58 : i32
    "tpu.region"() ({
      %run_scoped3A = tpu.sem_alloc : memref<!tpu.dma_semaphore, #tpu.memory_space<semaphore_mem>>
      %dma_start3A = arith.constant 0 : i32
      %dma_start3A_89 = tpu.memref_slice %arg9[%add3A_59, %dma_start3A] : memref<10240x128xf32, #tpu.memory_space<vmem_shared>> -> memref<128x128xf32, #tpu.memory_space<vmem_shared>>
      %dma_start3A_90 = arith.constant 0 : i32
      %dma_start3A_91 = tpu.memref_slice %arg9[%add3A_59, %dma_start3A_90] : memref<10240x128xf32, #tpu.memory_space<vmem_shared>> -> memref<128x128xf32, #tpu.memory_space<vmem_shared>>
      tpu.enqueue_dma source(%dma_start3A_91 : memref<128x128xf32, #tpu.memory_space<vmem_shared>>) target(%arg8 : memref<128x128xf32, #tpu.memory_space<vmem>>) target_semaphore(%run_scoped3A : memref<!tpu.dma_semaphore, #tpu.memory_space<semaphore_mem>>)
      %dma_wait3A = arith.constant 0 : i32
      %dma_wait3A_92 = tpu.memref_slice %arg9[%add3A_59, %dma_wait3A] : memref<10240x128xf32, #tpu.memory_space<vmem_shared>> -> memref<128x128xf32, #tpu.memory_space<vmem_shared>>
      %dma_wait3A_93 = arith.constant 0 : i32
      %dma_wait3A_94 = tpu.memref_slice %arg9[%add3A_59, %dma_wait3A_93] : memref<10240x128xf32, #tpu.memory_space<vmem_shared>> -> memref<128x128xf32, #tpu.memory_space<vmem_shared>>
      tpu.wait_dma2 semaphore(%run_scoped3A : memref<!tpu.dma_semaphore, #tpu.memory_space<semaphore_mem>>) src(%dma_wait3A_94 : memref<128x128xf32, #tpu.memory_space<vmem_shared>>) dst(%arg8 : memref<128x128xf32, #tpu.memory_space<vmem>>)
      tpu.yield
    }) : () -> ()
    %mul3A_60 = arith.constant 10240 : i32
    %mul3A_61 = arith.muli %arg0, %mul3A_60 : i32
    %mul3A_62 = arith.constant 640 : i32
    %mul3A_63 = arith.muli %arg1, %mul3A_62 : i32
    %add3A_64 = arith.addi %mul3A_61, %mul3A_63 : i32
    %add3A_65 = arith.constant 256 : i32
    %add3A_66 = arith.addi %add3A_64, %add3A_65 : i32
    "tpu.region"() ({
      %run_scoped3A = tpu.sem_alloc : memref<!tpu.dma_semaphore, #tpu.memory_space<semaphore_mem>>
      %dma_start3A = arith.constant 0 : i32
      %dma_start3A_89 = tpu.memref_slice %arg5[%add3A_66, %dma_start3A] : memref<20480x128xf32, #tpu.memory_space<hbm>> -> memref<128x128xf32, #tpu.memory_space<hbm>>
      %dma_start3A_90 = arith.constant 0 : i32
      %dma_start3A_91 = tpu.memref_slice %arg5[%add3A_66, %dma_start3A_90] : memref<20480x128xf32, #tpu.memory_space<hbm>> -> memref<128x128xf32, #tpu.memory_space<hbm>>
      tpu.enqueue_dma source(%arg8 : memref<128x128xf32, #tpu.memory_space<vmem>>) target(%dma_start3A_91 : memref<128x128xf32, #tpu.memory_space<hbm>>) target_semaphore(%run_scoped3A : memref<!tpu.dma_semaphore, #tpu.memory_space<semaphore_mem>>)
      %dma_wait3A = arith.constant 0 : i32
      %dma_wait3A_92 = tpu.memref_slice %arg5[%add3A_66, %dma_wait3A] : memref<20480x128xf32, #tpu.memory_space<hbm>> -> memref<128x128xf32, #tpu.memory_space<hbm>>
      %dma_wait3A_93 = arith.constant 0 : i32
      %dma_wait3A_94 = tpu.memref_slice %arg5[%add3A_66, %dma_wait3A_93] : memref<20480x128xf32, #tpu.memory_space<hbm>> -> memref<128x128xf32, #tpu.memory_space<hbm>>
      tpu.wait_dma2 semaphore(%run_scoped3A : memref<!tpu.dma_semaphore, #tpu.memory_space<semaphore_mem>>) src(%arg8 : memref<128x128xf32, #tpu.memory_space<vmem>>) dst(%dma_wait3A_94 : memref<128x128xf32, #tpu.memory_space<hbm>>)
      tpu.yield
    }) : () -> ()
    %mul3A_67 = arith.constant 640 : i32
    %mul3A_68 = arith.muli %arg1, %mul3A_67 : i32
    %add3A_69 = arith.constant 384 : i32
    %add3A_70 = arith.addi %mul3A_68, %add3A_69 : i32
    "tpu.region"() ({
      %run_scoped3A = tpu.sem_alloc : memref<!tpu.dma_semaphore, #tpu.memory_space<semaphore_mem>>
      %dma_start3A = arith.constant 0 : i32
      %dma_start3A_89 = tpu.memref_slice %arg9[%add3A_70, %dma_start3A] : memref<10240x128xf32, #tpu.memory_space<vmem_shared>> -> memref<128x128xf32, #tpu.memory_space<vmem_shared>>
      %dma_start3A_90 = arith.constant 0 : i32
      %dma_start3A_91 = tpu.memref_slice %arg9[%add3A_70, %dma_start3A_90] : memref<10240x128xf32, #tpu.memory_space<vmem_shared>> -> memref<128x128xf32, #tpu.memory_space<vmem_shared>>
      tpu.enqueue_dma source(%dma_start3A_91 : memref<128x128xf32, #tpu.memory_space<vmem_shared>>) target(%arg8 : memref<128x128xf32, #tpu.memory_space<vmem>>) target_semaphore(%run_scoped3A : memref<!tpu.dma_semaphore, #tpu.memory_space<semaphore_mem>>)
      %dma_wait3A = arith.constant 0 : i32
      %dma_wait3A_92 = tpu.memref_slice %arg9[%add3A_70, %dma_wait3A] : memref<10240x128xf32, #tpu.memory_space<vmem_shared>> -> memref<128x128xf32, #tpu.memory_space<vmem_shared>>
      %dma_wait3A_93 = arith.constant 0 : i32
      %dma_wait3A_94 = tpu.memref_slice %arg9[%add3A_70, %dma_wait3A_93] : memref<10240x128xf32, #tpu.memory_space<vmem_shared>> -> memref<128x128xf32, #tpu.memory_space<vmem_shared>>
      tpu.wait_dma2 semaphore(%run_scoped3A : memref<!tpu.dma_semaphore, #tpu.memory_space<semaphore_mem>>) src(%dma_wait3A_94 : memref<128x128xf32, #tpu.memory_space<vmem_shared>>) dst(%arg8 : memref<128x128xf32, #tpu.memory_space<vmem>>)
      tpu.yield
    }) : () -> ()
    %mul3A_71 = arith.constant 10240 : i32
    %mul3A_72 = arith.muli %arg0, %mul3A_71 : i32
    %mul3A_73 = arith.constant 640 : i32
    %mul3A_74 = arith.muli %arg1, %mul3A_73 : i32
    %add3A_75 = arith.addi %mul3A_72, %mul3A_74 : i32
    %add3A_76 = arith.constant 384 : i32
    %add3A_77 = arith.addi %add3A_75, %add3A_76 : i32
    "tpu.region"() ({
      %run_scoped3A = tpu.sem_alloc : memref<!tpu.dma_semaphore, #tpu.memory_space<semaphore_mem>>
      %dma_start3A = arith.constant 0 : i32
      %dma_start3A_89 = tpu.memref_slice %arg5[%add3A_77, %dma_start3A] : memref<20480x128xf32, #tpu.memory_space<hbm>> -> memref<128x128xf32, #tpu.memory_space<hbm>>
      %dma_start3A_90 = arith.constant 0 : i32
      %dma_start3A_91 = tpu.memref_slice %arg5[%add3A_77, %dma_start3A_90] : memref<20480x128xf32, #tpu.memory_space<hbm>> -> memref<128x128xf32, #tpu.memory_space<hbm>>
      tpu.enqueue_dma source(%arg8 : memref<128x128xf32, #tpu.memory_space<vmem>>) target(%dma_start3A_91 : memref<128x128xf32, #tpu.memory_space<hbm>>) target_semaphore(%run_scoped3A : memref<!tpu.dma_semaphore, #tpu.memory_space<semaphore_mem>>)
      %dma_wait3A = arith.constant 0 : i32
      %dma_wait3A_92 = tpu.memref_slice %arg5[%add3A_77, %dma_wait3A] : memref<20480x128xf32, #tpu.memory_space<hbm>> -> memref<128x128xf32, #tpu.memory_space<hbm>>
      %dma_wait3A_93 = arith.constant 0 : i32
      %dma_wait3A_94 = tpu.memref_slice %arg5[%add3A_77, %dma_wait3A_93] : memref<20480x128xf32, #tpu.memory_space<hbm>> -> memref<128x128xf32, #tpu.memory_space<hbm>>
      tpu.wait_dma2 semaphore(%run_scoped3A : memref<!tpu.dma_semaphore, #tpu.memory_space<semaphore_mem>>) src(%arg8 : memref<128x128xf32, #tpu.memory_space<vmem>>) dst(%dma_wait3A_94 : memref<128x128xf32, #tpu.memory_space<hbm>>)
      tpu.yield
    }) : () -> ()
    %mul3A_78 = arith.constant 640 : i32
    %mul3A_79 = arith.muli %arg1, %mul3A_78 : i32
    %add3A_80 = arith.constant 512 : i32
    %add3A_81 = arith.addi %mul3A_79, %add3A_80 : i32
    "tpu.region"() ({
      %run_scoped3A = tpu.sem_alloc : memref<!tpu.dma_semaphore, #tpu.memory_space<semaphore_mem>>
      %dma_start3A = arith.constant 0 : i32
      %dma_start3A_89 = tpu.memref_slice %arg9[%add3A_81, %dma_start3A] : memref<10240x128xf32, #tpu.memory_space<vmem_shared>> -> memref<128x128xf32, #tpu.memory_space<vmem_shared>>
      %dma_start3A_90 = arith.constant 0 : i32
      %dma_start3A_91 = tpu.memref_slice %arg9[%add3A_81, %dma_start3A_90] : memref<10240x128xf32, #tpu.memory_space<vmem_shared>> -> memref<128x128xf32, #tpu.memory_space<vmem_shared>>
      tpu.enqueue_dma source(%dma_start3A_91 : memref<128x128xf32, #tpu.memory_space<vmem_shared>>) target(%arg8 : memref<128x128xf32, #tpu.memory_space<vmem>>) target_semaphore(%run_scoped3A : memref<!tpu.dma_semaphore, #tpu.memory_space<semaphore_mem>>)
      %dma_wait3A = arith.constant 0 : i32
      %dma_wait3A_92 = tpu.memref_slice %arg9[%add3A_81, %dma_wait3A] : memref<10240x128xf32, #tpu.memory_space<vmem_shared>> -> memref<128x128xf32, #tpu.memory_space<vmem_shared>>
      %dma_wait3A_93 = arith.constant 0 : i32
      %dma_wait3A_94 = tpu.memref_slice %arg9[%add3A_81, %dma_wait3A_93] : memref<10240x128xf32, #tpu.memory_space<vmem_shared>> -> memref<128x128xf32, #tpu.memory_space<vmem_shared>>
      tpu.wait_dma2 semaphore(%run_scoped3A : memref<!tpu.dma_semaphore, #tpu.memory_space<semaphore_mem>>) src(%dma_wait3A_94 : memref<128x128xf32, #tpu.memory_space<vmem_shared>>) dst(%arg8 : memref<128x128xf32, #tpu.memory_space<vmem>>)
      tpu.yield
    }) : () -> ()
    %mul3A_82 = arith.constant 10240 : i32
    %mul3A_83 = arith.muli %arg0, %mul3A_82 : i32
    %mul3A_84 = arith.constant 640 : i32
    %mul3A_85 = arith.muli %arg1, %mul3A_84 : i32
    %add3A_86 = arith.addi %mul3A_83, %mul3A_85 : i32
    %add3A_87 = arith.constant 512 : i32
    %add3A_88 = arith.addi %add3A_86, %add3A_87 : i32
    "tpu.region"() ({
      %run_scoped3A = tpu.sem_alloc : memref<!tpu.dma_semaphore, #tpu.memory_space<semaphore_mem>>
      %dma_start3A = arith.constant 0 : i32
      %dma_start3A_89 = tpu.memref_slice %arg5[%add3A_88, %dma_start3A] : memref<20480x128xf32, #tpu.memory_space<hbm>> -> memref<128x128xf32, #tpu.memory_space<hbm>>
      %dma_start3A_90 = arith.constant 0 : i32
      %dma_start3A_91 = tpu.memref_slice %arg5[%add3A_88, %dma_start3A_90] : memref<20480x128xf32, #tpu.memory_space<hbm>> -> memref<128x128xf32, #tpu.memory_space<hbm>>
      tpu.enqueue_dma source(%arg8 : memref<128x128xf32, #tpu.memory_space<vmem>>) target(%dma_start3A_91 : memref<128x128xf32, #tpu.memory_space<hbm>>) target_semaphore(%run_scoped3A : memref<!tpu.dma_semaphore, #tpu.memory_space<semaphore_mem>>)
      %dma_wait3A = arith.constant 0 : i32
      %dma_wait3A_92 = tpu.memref_slice %arg5[%add3A_88, %dma_wait3A] : memref<20480x128xf32, #tpu.memory_space<hbm>> -> memref<128x128xf32, #tpu.memory_space<hbm>>
      %dma_wait3A_93 = arith.constant 0 : i32
      %dma_wait3A_94 = tpu.memref_slice %arg5[%add3A_88, %dma_wait3A_93] : memref<20480x128xf32, #tpu.memory_space<hbm>> -> memref<128x128xf32, #tpu.memory_space<hbm>>
      tpu.wait_dma2 semaphore(%run_scoped3A : memref<!tpu.dma_semaphore, #tpu.memory_space<semaphore_mem>>) src(%arg8 : memref<128x128xf32, #tpu.memory_space<vmem>>) dst(%dma_wait3A_94 : memref<128x128xf32, #tpu.memory_space<hbm>>)
      tpu.yield
    }) : () -> ()
    return
  }
}

#map = affine_map<(d0, d1) -> (0, 0, 0)>
#map1 = affine_map<(d0, d1) -> (0)>
module attributes {stable_mosaic.version = 14 : i64} {
  func.func @_deg_kernel(%arg0: i32, %arg1: i32, %arg2: memref<32x80x128xi32, #tpu.memory_space<hbm>>, %arg3: memref<32x80x128xi32, #tpu.memory_space<hbm>>, %arg4: memref<40960xf32, #tpu.memory_space<hbm>>, %arg5: memref<80x128xi32, #tpu.memory_space<vmem>>, %arg6: memref<80x128xi32, #tpu.memory_space<vmem>>, %arg7: memref<128xf32, #tpu.memory_space<vmem>>, %arg8: memref<640xf32, #tpu.memory_space<vmem>>, %arg9: memref<10240xf32, #tpu.memory_space<vmem_shared>>, %arg10: memref<10240xf32, #tpu.memory_space<vmem_shared>>) attributes {dimension_semantics = [#tpu.dimension_semantics<core_parallel>, #tpu.dimension_semantics<subcore_parallel>], iteration_bounds = array<i64: 2, 16>, scalar_prefetch = 0 : i64, scratch_operands = 6 : i64, tpu.core_type = #tpu.core_type<sc_vector_subcore>, window_params = [{transform_indices = #map}, {transform_indices = #map}, {transform_indices = #map1}]} {
    %mul3A = arith.constant 2 : i32
    %mul3A_0 = arith.muli %arg1, %mul3A : i32
    %add3A = arith.addi %mul3A_0, %arg0 : i32
    "tpu.region"() ({
      %run_scoped3A = tpu.sem_alloc : memref<!tpu.dma_semaphore, #tpu.memory_space<semaphore_mem>>
      %dma_start3A = arith.constant 0 : i32
      %dma_start3A_42 = arith.constant 0 : i32
      %dma_start3A_43 = tpu.memref_slice %arg2[%add3A, %dma_start3A, %dma_start3A_42] : memref<32x80x128xi32, #tpu.memory_space<hbm>> -> memref<1x80x128xi32, #tpu.memory_space<hbm>>
      %dma_start3A_44 = tpu.memref_squeeze %dma_start3A_43 : memref<1x80x128xi32, #tpu.memory_space<hbm>> -> memref<80x128xi32, #tpu.memory_space<hbm>>
      %dma_start3A_45 = arith.constant 0 : i32
      %dma_start3A_46 = arith.constant 0 : i32
      %dma_start3A_47 = tpu.memref_slice %arg2[%add3A, %dma_start3A_45, %dma_start3A_46] : memref<32x80x128xi32, #tpu.memory_space<hbm>> -> memref<1x80x128xi32, #tpu.memory_space<hbm>>
      %dma_start3A_48 = tpu.memref_squeeze %dma_start3A_47 : memref<1x80x128xi32, #tpu.memory_space<hbm>> -> memref<80x128xi32, #tpu.memory_space<hbm>>
      tpu.enqueue_dma source(%dma_start3A_48 : memref<80x128xi32, #tpu.memory_space<hbm>>) target(%arg5 : memref<80x128xi32, #tpu.memory_space<vmem>>) target_semaphore(%run_scoped3A : memref<!tpu.dma_semaphore, #tpu.memory_space<semaphore_mem>>)
      %dma_wait3A = arith.constant 0 : i32
      %dma_wait3A_49 = arith.constant 0 : i32
      %dma_wait3A_50 = tpu.memref_slice %arg2[%add3A, %dma_wait3A, %dma_wait3A_49] : memref<32x80x128xi32, #tpu.memory_space<hbm>> -> memref<1x80x128xi32, #tpu.memory_space<hbm>>
      %dma_wait3A_51 = tpu.memref_squeeze %dma_wait3A_50 : memref<1x80x128xi32, #tpu.memory_space<hbm>> -> memref<80x128xi32, #tpu.memory_space<hbm>>
      %dma_wait3A_52 = arith.constant 0 : i32
      %dma_wait3A_53 = arith.constant 0 : i32
      %dma_wait3A_54 = tpu.memref_slice %arg2[%add3A, %dma_wait3A_52, %dma_wait3A_53] : memref<32x80x128xi32, #tpu.memory_space<hbm>> -> memref<1x80x128xi32, #tpu.memory_space<hbm>>
      %dma_wait3A_55 = tpu.memref_squeeze %dma_wait3A_54 : memref<1x80x128xi32, #tpu.memory_space<hbm>> -> memref<80x128xi32, #tpu.memory_space<hbm>>
      tpu.wait_dma2 semaphore(%run_scoped3A : memref<!tpu.dma_semaphore, #tpu.memory_space<semaphore_mem>>) src(%dma_wait3A_55 : memref<80x128xi32, #tpu.memory_space<hbm>>) dst(%arg5 : memref<80x128xi32, #tpu.memory_space<vmem>>)
      tpu.yield
    }) : () -> ()
    "tpu.region"() ({
      %run_scoped3A = tpu.sem_alloc : memref<!tpu.dma_semaphore, #tpu.memory_space<semaphore_mem>>
      %dma_start3A = arith.constant 0 : i32
      %dma_start3A_42 = arith.constant 0 : i32
      %dma_start3A_43 = tpu.memref_slice %arg3[%add3A, %dma_start3A, %dma_start3A_42] : memref<32x80x128xi32, #tpu.memory_space<hbm>> -> memref<1x80x128xi32, #tpu.memory_space<hbm>>
      %dma_start3A_44 = tpu.memref_squeeze %dma_start3A_43 : memref<1x80x128xi32, #tpu.memory_space<hbm>> -> memref<80x128xi32, #tpu.memory_space<hbm>>
      %dma_start3A_45 = arith.constant 0 : i32
      %dma_start3A_46 = arith.constant 0 : i32
      %dma_start3A_47 = tpu.memref_slice %arg3[%add3A, %dma_start3A_45, %dma_start3A_46] : memref<32x80x128xi32, #tpu.memory_space<hbm>> -> memref<1x80x128xi32, #tpu.memory_space<hbm>>
      %dma_start3A_48 = tpu.memref_squeeze %dma_start3A_47 : memref<1x80x128xi32, #tpu.memory_space<hbm>> -> memref<80x128xi32, #tpu.memory_space<hbm>>
      tpu.enqueue_dma source(%dma_start3A_48 : memref<80x128xi32, #tpu.memory_space<hbm>>) target(%arg6 : memref<80x128xi32, #tpu.memory_space<vmem>>) target_semaphore(%run_scoped3A : memref<!tpu.dma_semaphore, #tpu.memory_space<semaphore_mem>>)
      %dma_wait3A = arith.constant 0 : i32
      %dma_wait3A_49 = arith.constant 0 : i32
      %dma_wait3A_50 = tpu.memref_slice %arg3[%add3A, %dma_wait3A, %dma_wait3A_49] : memref<32x80x128xi32, #tpu.memory_space<hbm>> -> memref<1x80x128xi32, #tpu.memory_space<hbm>>
      %dma_wait3A_51 = tpu.memref_squeeze %dma_wait3A_50 : memref<1x80x128xi32, #tpu.memory_space<hbm>> -> memref<80x128xi32, #tpu.memory_space<hbm>>
      %dma_wait3A_52 = arith.constant 0 : i32
      %dma_wait3A_53 = arith.constant 0 : i32
      %dma_wait3A_54 = tpu.memref_slice %arg3[%add3A, %dma_wait3A_52, %dma_wait3A_53] : memref<32x80x128xi32, #tpu.memory_space<hbm>> -> memref<1x80x128xi32, #tpu.memory_space<hbm>>
      %dma_wait3A_55 = tpu.memref_squeeze %dma_wait3A_54 : memref<1x80x128xi32, #tpu.memory_space<hbm>> -> memref<80x128xi32, #tpu.memory_space<hbm>>
      tpu.wait_dma2 semaphore(%run_scoped3A : memref<!tpu.dma_semaphore, #tpu.memory_space<semaphore_mem>>) src(%dma_wait3A_55 : memref<80x128xi32, #tpu.memory_space<hbm>>) dst(%arg6 : memref<80x128xi32, #tpu.memory_space<vmem>>)
      tpu.yield
    }) : () -> ()
    %broadcast_in_dim3A = arith.constant 1.000000e+00 : f32
    %broadcast_in_dim3A_1 = vector.broadcast %broadcast_in_dim3A : f32 to vector<16xf32>
    %broadcast_in_dim3A_2 = arith.constant 0.000000e+00 : f32
    %broadcast_in_dim3A_3 = vector.broadcast %broadcast_in_dim3A_2 : f32 to vector<16xf32>
    %scan3A = arith.constant 0 : i32
    %scan3A_4 = arith.constant 0 : i32
    %scan3A_5 = arith.constant 8 : i32
    %scan3A_6 = arith.addi %scan3A_4, %scan3A_5 : i32
    %scan3A_7 = arith.constant 1 : i32
    scf.for %scan3A_42 = %scan3A_4 to %scan3A_6 step %scan3A_7  : i32 {
      %mul3A_43 = arith.constant 16 : i32
      %mul3A_44 = arith.muli %scan3A_42, %mul3A_43 : i32
      %swap3A = arith.index_cast %mul3A_44 : i32 to index
      %swap3A_45 = tpu.vector_load %arg7[%swap3A] {strides = array<i32>} : memref<128xf32, #tpu.memory_space<vmem>>, vector<16xf32>,
      %swap3A_46 = vector.shape_cast %swap3A_45 : vector<16xf32> to vector<16xf32>
      %swap3A_47 = vector.shape_cast %broadcast_in_dim3A_1 : vector<16xf32> to vector<16xf32>
      tpu.vector_store %arg7[%swap3A], %swap3A_47 {strides = array<i32>} : memref<128xf32, #tpu.memory_space<vmem>>, vector<16xf32>,
    }
    %scan3A_8 = arith.constant 8 : i32
    %scan3A_9 = arith.constant 0 : i32
    %scan3A_10 = arith.constant 0 : i32
    %scan3A_11 = arith.constant 40 : i32
    %scan3A_12 = arith.addi %scan3A_10, %scan3A_11 : i32
    %scan3A_13 = arith.constant 1 : i32
    scf.for %scan3A_42 = %scan3A_10 to %scan3A_12 step %scan3A_13  : i32 {
      %mul3A_43 = arith.constant 16 : i32
      %mul3A_44 = arith.muli %scan3A_42, %mul3A_43 : i32
      %swap3A = arith.index_cast %mul3A_44 : i32 to index
      %swap3A_45 = tpu.vector_load %arg8[%swap3A] {strides = array<i32>} : memref<640xf32, #tpu.memory_space<vmem>>, vector<16xf32>,
      %swap3A_46 = vector.shape_cast %swap3A_45 : vector<16xf32> to vector<16xf32>
      %swap3A_47 = vector.shape_cast %broadcast_in_dim3A_3 : vector<16xf32> to vector<16xf32>
      tpu.vector_store %arg8[%swap3A], %swap3A_47 {strides = array<i32>} : memref<640xf32, #tpu.memory_space<vmem>>, vector<16xf32>,
    }
    %scan3A_14 = arith.constant 40 : i32
    %mul3A_15 = arith.constant 640 : i32
    %mul3A_16 = arith.muli %arg1, %mul3A_15 : i32
    "tpu.region"() ({
      %run_scoped3A = tpu.sem_alloc : memref<!tpu.dma_semaphore, #tpu.memory_space<semaphore_mem>>
      %dma_start3A = tpu.memref_slice %arg9[%mul3A_16] : memref<10240xf32, #tpu.memory_space<vmem_shared>> -> memref<640xf32, #tpu.memory_space<vmem_shared>>
      %dma_start3A_42 = tpu.memref_slice %arg9[%mul3A_16] : memref<10240xf32, #tpu.memory_space<vmem_shared>> -> memref<640xf32, #tpu.memory_space<vmem_shared>>
      tpu.enqueue_dma source(%arg8 : memref<640xf32, #tpu.memory_space<vmem>>) target(%dma_start3A_42 : memref<640xf32, #tpu.memory_space<vmem_shared>>) target_semaphore(%run_scoped3A : memref<!tpu.dma_semaphore, #tpu.memory_space<semaphore_mem>>)
      %dma_wait3A = tpu.memref_slice %arg9[%mul3A_16] : memref<10240xf32, #tpu.memory_space<vmem_shared>> -> memref<640xf32, #tpu.memory_space<vmem_shared>>
      %dma_wait3A_43 = tpu.memref_slice %arg9[%mul3A_16] : memref<10240xf32, #tpu.memory_space<vmem_shared>> -> memref<640xf32, #tpu.memory_space<vmem_shared>>
      tpu.wait_dma2 semaphore(%run_scoped3A : memref<!tpu.dma_semaphore, #tpu.memory_space<semaphore_mem>>) src(%arg8 : memref<640xf32, #tpu.memory_space<vmem>>) dst(%dma_wait3A_43 : memref<640xf32, #tpu.memory_space<vmem_shared>>)
      tpu.yield
    }) : () -> ()
    %mul3A_17 = arith.constant 640 : i32
    %mul3A_18 = arith.muli %arg1, %mul3A_17 : i32
    "tpu.region"() ({
      %run_scoped3A = tpu.sem_alloc : memref<!tpu.dma_semaphore, #tpu.memory_space<semaphore_mem>>
      %dma_start3A = tpu.memref_slice %arg10[%mul3A_18] : memref<10240xf32, #tpu.memory_space<vmem_shared>> -> memref<640xf32, #tpu.memory_space<vmem_shared>>
      %dma_start3A_42 = tpu.memref_slice %arg10[%mul3A_18] : memref<10240xf32, #tpu.memory_space<vmem_shared>> -> memref<640xf32, #tpu.memory_space<vmem_shared>>
      tpu.enqueue_dma source(%arg8 : memref<640xf32, #tpu.memory_space<vmem>>) target(%dma_start3A_42 : memref<640xf32, #tpu.memory_space<vmem_shared>>) target_semaphore(%run_scoped3A : memref<!tpu.dma_semaphore, #tpu.memory_space<semaphore_mem>>)
      %dma_wait3A = tpu.memref_slice %arg10[%mul3A_18] : memref<10240xf32, #tpu.memory_space<vmem_shared>> -> memref<640xf32, #tpu.memory_space<vmem_shared>>
      %dma_wait3A_43 = tpu.memref_slice %arg10[%mul3A_18] : memref<10240xf32, #tpu.memory_space<vmem_shared>> -> memref<640xf32, #tpu.memory_space<vmem_shared>>
      tpu.wait_dma2 semaphore(%run_scoped3A : memref<!tpu.dma_semaphore, #tpu.memory_space<semaphore_mem>>) src(%arg8 : memref<640xf32, #tpu.memory_space<vmem>>) dst(%dma_wait3A_43 : memref<640xf32, #tpu.memory_space<vmem_shared>>)
      tpu.yield
    }) : () -> ()
    %barrier3A = arith.constant 0 : index
    tpu.barrier barrier_id(%barrier3A)
    %scan3A_19 = arith.constant 0 : i32
    %scan3A_20 = arith.constant 0 : i32
    %scan3A_21 = arith.constant 80 : i32
    %scan3A_22 = arith.addi %scan3A_20, %scan3A_21 : i32
    %scan3A_23 = arith.constant 1 : i32
    scf.for %scan3A_42 = %scan3A_20 to %scan3A_22 step %scan3A_23  : i32 {
      "tpu.region"() ({
        %run_scoped3A = tpu.sem_alloc : memref<!tpu.dma_semaphore, #tpu.memory_space<semaphore_mem>>
        %dma_start3A = arith.constant 0 : i32
        %dma_start3A_43 = tpu.memref_slice %arg5[%scan3A_42, %dma_start3A] : memref<80x128xi32, #tpu.memory_space<vmem>> -> memref<1x128xi32, #tpu.memory_space<vmem>>
        %dma_start3A_44 = tpu.memref_squeeze %dma_start3A_43 : memref<1x128xi32, #tpu.memory_space<vmem>> -> memref<128xi32, #tpu.memory_space<vmem>>
        %dma_start3A_45 = arith.constant 0 : i32
        %dma_start3A_46 = tpu.memref_slice %arg9[%dma_start3A_45] : memref<10240xf32, #tpu.memory_space<vmem_shared>> -> memref<10240xf32, #tpu.memory_space<vmem_shared>>
        tpu.enqueue_indirect_dma source(%arg7 : memref<128xf32, #tpu.memory_space<vmem>>) target(%dma_start3A_46 : memref<10240xf32, #tpu.memory_space<vmem_shared>>) offsets(%dma_start3A_44 : memref<128xi32, #tpu.memory_space<vmem>>) semaphore(%run_scoped3A : memref<!tpu.dma_semaphore, #tpu.memory_space<semaphore_mem>>) {add = true}
        %dma_wait3A = arith.constant 0 : i32
        %dma_wait3A_47 = tpu.memref_slice %arg5[%scan3A_42, %dma_wait3A] : memref<80x128xi32, #tpu.memory_space<vmem>> -> memref<1x128xi32, #tpu.memory_space<vmem>>
        %dma_wait3A_48 = tpu.memref_squeeze %dma_wait3A_47 : memref<1x128xi32, #tpu.memory_space<vmem>> -> memref<128xi32, #tpu.memory_space<vmem>>
        %dma_wait3A_49 = arith.constant 0 : i32
        %dma_wait3A_50 = tpu.memref_slice %arg9[%dma_wait3A_49] : memref<10240xf32, #tpu.memory_space<vmem_shared>> -> memref<10240xf32, #tpu.memory_space<vmem_shared>>
        tpu.wait_indirect_dma semaphore(%run_scoped3A : memref<!tpu.dma_semaphore, #tpu.memory_space<semaphore_mem>>) src(%arg7 : memref<128xf32, #tpu.memory_space<vmem>>) dst(%dma_wait3A_50 : memref<10240xf32, #tpu.memory_space<vmem_shared>>)
        tpu.yield
      }) : () -> ()
      "tpu.region"() ({
        %run_scoped3A = tpu.sem_alloc : memref<!tpu.dma_semaphore, #tpu.memory_space<semaphore_mem>>
        %dma_start3A = arith.constant 0 : i32
        %dma_start3A_43 = tpu.memref_slice %arg6[%scan3A_42, %dma_start3A] : memref<80x128xi32, #tpu.memory_space<vmem>> -> memref<1x128xi32, #tpu.memory_space<vmem>>
        %dma_start3A_44 = tpu.memref_squeeze %dma_start3A_43 : memref<1x128xi32, #tpu.memory_space<vmem>> -> memref<128xi32, #tpu.memory_space<vmem>>
        %dma_start3A_45 = arith.constant 0 : i32
        %dma_start3A_46 = tpu.memref_slice %arg10[%dma_start3A_45] : memref<10240xf32, #tpu.memory_space<vmem_shared>> -> memref<10240xf32, #tpu.memory_space<vmem_shared>>
        tpu.enqueue_indirect_dma source(%arg7 : memref<128xf32, #tpu.memory_space<vmem>>) target(%dma_start3A_46 : memref<10240xf32, #tpu.memory_space<vmem_shared>>) offsets(%dma_start3A_44 : memref<128xi32, #tpu.memory_space<vmem>>) semaphore(%run_scoped3A : memref<!tpu.dma_semaphore, #tpu.memory_space<semaphore_mem>>) {add = true}
        %dma_wait3A = arith.constant 0 : i32
        %dma_wait3A_47 = tpu.memref_slice %arg6[%scan3A_42, %dma_wait3A] : memref<80x128xi32, #tpu.memory_space<vmem>> -> memref<1x128xi32, #tpu.memory_space<vmem>>
        %dma_wait3A_48 = tpu.memref_squeeze %dma_wait3A_47 : memref<1x128xi32, #tpu.memory_space<vmem>> -> memref<128xi32, #tpu.memory_space<vmem>>
        %dma_wait3A_49 = arith.constant 0 : i32
        %dma_wait3A_50 = tpu.memref_slice %arg10[%dma_wait3A_49] : memref<10240xf32, #tpu.memory_space<vmem_shared>> -> memref<10240xf32, #tpu.memory_space<vmem_shared>>
        tpu.wait_indirect_dma semaphore(%run_scoped3A : memref<!tpu.dma_semaphore, #tpu.memory_space<semaphore_mem>>) src(%arg7 : memref<128xf32, #tpu.memory_space<vmem>>) dst(%dma_wait3A_50 : memref<10240xf32, #tpu.memory_space<vmem_shared>>)
        tpu.yield
      }) : () -> ()
    }
    %scan3A_24 = arith.constant 80 : i32
    %barrier3A_25 = arith.constant 0 : index
    tpu.barrier barrier_id(%barrier3A_25)
    %mul3A_26 = arith.constant 640 : i32
    %mul3A_27 = arith.muli %arg1, %mul3A_26 : i32
    "tpu.region"() ({
      %run_scoped3A = tpu.sem_alloc : memref<!tpu.dma_semaphore, #tpu.memory_space<semaphore_mem>>
      %dma_start3A = tpu.memref_slice %arg9[%mul3A_27] : memref<10240xf32, #tpu.memory_space<vmem_shared>> -> memref<640xf32, #tpu.memory_space<vmem_shared>>
      %dma_start3A_42 = tpu.memref_slice %arg9[%mul3A_27] : memref<10240xf32, #tpu.memory_space<vmem_shared>> -> memref<640xf32, #tpu.memory_space<vmem_shared>>
      tpu.enqueue_dma source(%dma_start3A_42 : memref<640xf32, #tpu.memory_space<vmem_shared>>) target(%arg8 : memref<640xf32, #tpu.memory_space<vmem>>) target_semaphore(%run_scoped3A : memref<!tpu.dma_semaphore, #tpu.memory_space<semaphore_mem>>)
      %dma_wait3A = tpu.memref_slice %arg9[%mul3A_27] : memref<10240xf32, #tpu.memory_space<vmem_shared>> -> memref<640xf32, #tpu.memory_space<vmem_shared>>
      %dma_wait3A_43 = tpu.memref_slice %arg9[%mul3A_27] : memref<10240xf32, #tpu.memory_space<vmem_shared>> -> memref<640xf32, #tpu.memory_space<vmem_shared>>
      tpu.wait_dma2 semaphore(%run_scoped3A : memref<!tpu.dma_semaphore, #tpu.memory_space<semaphore_mem>>) src(%dma_wait3A_43 : memref<640xf32, #tpu.memory_space<vmem_shared>>) dst(%arg8 : memref<640xf32, #tpu.memory_space<vmem>>)
      tpu.yield
    }) : () -> ()
    %mul3A_28 = arith.constant 20480 : i32
    %mul3A_29 = arith.muli %arg0, %mul3A_28 : i32
    %mul3A_30 = arith.constant 640 : i32
    %mul3A_31 = arith.muli %arg1, %mul3A_30 : i32
    %add3A_32 = arith.addi %mul3A_29, %mul3A_31 : i32
    "tpu.region"() ({
      %run_scoped3A = tpu.sem_alloc : memref<!tpu.dma_semaphore, #tpu.memory_space<semaphore_mem>>
      %dma_start3A = tpu.memref_slice %arg4[%add3A_32] : memref<40960xf32, #tpu.memory_space<hbm>> -> memref<640xf32, #tpu.memory_space<hbm>>
      %dma_start3A_42 = tpu.memref_slice %arg4[%add3A_32] : memref<40960xf32, #tpu.memory_space<hbm>> -> memref<640xf32, #tpu.memory_space<hbm>>
      tpu.enqueue_dma source(%arg8 : memref<640xf32, #tpu.memory_space<vmem>>) target(%dma_start3A_42 : memref<640xf32, #tpu.memory_space<hbm>>) target_semaphore(%run_scoped3A : memref<!tpu.dma_semaphore, #tpu.memory_space<semaphore_mem>>)
      %dma_wait3A = tpu.memref_slice %arg4[%add3A_32] : memref<40960xf32, #tpu.memory_space<hbm>> -> memref<640xf32, #tpu.memory_space<hbm>>
      %dma_wait3A_43 = tpu.memref_slice %arg4[%add3A_32] : memref<40960xf32, #tpu.memory_space<hbm>> -> memref<640xf32, #tpu.memory_space<hbm>>
      tpu.wait_dma2 semaphore(%run_scoped3A : memref<!tpu.dma_semaphore, #tpu.memory_space<semaphore_mem>>) src(%arg8 : memref<640xf32, #tpu.memory_space<vmem>>) dst(%dma_wait3A_43 : memref<640xf32, #tpu.memory_space<hbm>>)
      tpu.yield
    }) : () -> ()
    %mul3A_33 = arith.constant 640 : i32
    %mul3A_34 = arith.muli %arg1, %mul3A_33 : i32
    "tpu.region"() ({
      %run_scoped3A = tpu.sem_alloc : memref<!tpu.dma_semaphore, #tpu.memory_space<semaphore_mem>>
      %dma_start3A = tpu.memref_slice %arg10[%mul3A_34] : memref<10240xf32, #tpu.memory_space<vmem_shared>> -> memref<640xf32, #tpu.memory_space<vmem_shared>>
      %dma_start3A_42 = tpu.memref_slice %arg10[%mul3A_34] : memref<10240xf32, #tpu.memory_space<vmem_shared>> -> memref<640xf32, #tpu.memory_space<vmem_shared>>
      tpu.enqueue_dma source(%dma_start3A_42 : memref<640xf32, #tpu.memory_space<vmem_shared>>) target(%arg8 : memref<640xf32, #tpu.memory_space<vmem>>) target_semaphore(%run_scoped3A : memref<!tpu.dma_semaphore, #tpu.memory_space<semaphore_mem>>)
      %dma_wait3A = tpu.memref_slice %arg10[%mul3A_34] : memref<10240xf32, #tpu.memory_space<vmem_shared>> -> memref<640xf32, #tpu.memory_space<vmem_shared>>
      %dma_wait3A_43 = tpu.memref_slice %arg10[%mul3A_34] : memref<10240xf32, #tpu.memory_space<vmem_shared>> -> memref<640xf32, #tpu.memory_space<vmem_shared>>
      tpu.wait_dma2 semaphore(%run_scoped3A : memref<!tpu.dma_semaphore, #tpu.memory_space<semaphore_mem>>) src(%dma_wait3A_43 : memref<640xf32, #tpu.memory_space<vmem_shared>>) dst(%arg8 : memref<640xf32, #tpu.memory_space<vmem>>)
      tpu.yield
    }) : () -> ()
    %mul3A_35 = arith.constant 20480 : i32
    %mul3A_36 = arith.muli %arg0, %mul3A_35 : i32
    %add3A_37 = arith.constant 10240 : i32
    %add3A_38 = arith.addi %mul3A_36, %add3A_37 : i32
    %mul3A_39 = arith.constant 640 : i32
    %mul3A_40 = arith.muli %arg1, %mul3A_39 : i32
    %add3A_41 = arith.addi %add3A_38, %mul3A_40 : i32
    "tpu.region"() ({
      %run_scoped3A = tpu.sem_alloc : memref<!tpu.dma_semaphore, #tpu.memory_space<semaphore_mem>>
      %dma_start3A = tpu.memref_slice %arg4[%add3A_41] : memref<40960xf32, #tpu.memory_space<hbm>> -> memref<640xf32, #tpu.memory_space<hbm>>
      %dma_start3A_42 = tpu.memref_slice %arg4[%add3A_41] : memref<40960xf32, #tpu.memory_space<hbm>> -> memref<640xf32, #tpu.memory_space<hbm>>
      tpu.enqueue_dma source(%arg8 : memref<640xf32, #tpu.memory_space<vmem>>) target(%dma_start3A_42 : memref<640xf32, #tpu.memory_space<hbm>>) target_semaphore(%run_scoped3A : memref<!tpu.dma_semaphore, #tpu.memory_space<semaphore_mem>>)
      %dma_wait3A = tpu.memref_slice %arg4[%add3A_41] : memref<40960xf32, #tpu.memory_space<hbm>> -> memref<640xf32, #tpu.memory_space<hbm>>
      %dma_wait3A_43 = tpu.memref_slice %arg4[%add3A_41] : memref<40960xf32, #tpu.memory_space<hbm>> -> memref<640xf32, #tpu.memory_space<hbm>>
      tpu.wait_dma2 semaphore(%run_scoped3A : memref<!tpu.dma_semaphore, #tpu.memory_space<semaphore_mem>>) src(%arg8 : memref<640xf32, #tpu.memory_space<vmem>>) dst(%dma_wait3A_43 : memref<640xf32, #tpu.memory_space<hbm>>)
      tpu.yield
    }) : () -> ()
    return
  }
}

module attributes {stable_mosaic.version = 14 : i64} {
  func.func @_mm_body(%arg0: i32, %arg1: memref<256x128xf32, #tpu.memory_space<vmem>>, %arg2: memref<128x128xf32, #tpu.memory_space<vmem>>, %arg3: memref<256x128xf32, #tpu.memory_space<vmem>>) attributes {dimension_semantics = [#tpu.dimension_semantics<arbitrary>], iteration_bounds = array<i64: 40>, scalar_prefetch = 0 : i64, scratch_operands = 0 : i64, tpu.core_type = #tpu.core_type<tc>, window_params = [{transform_indices = @transform_0, window_bounds = array<i64: 256, 128>}, {pipeline_mode = #tpu.pipeline_mode<synchronous>, transform_indices = @transform_1, window_bounds = array<i64: 128, 128>}, {transform_indices = @transform_2, window_bounds = array<i64: 256, 128>}]} {
    %get3A = arith.constant 0 : index
    %get3A_0 = arith.constant 0 : index
    %get3A_1 = vector.load %arg1[%get3A, %get3A_0] : memref<256x128xf32, #tpu.memory_space<vmem>>, vector<256x128xf32>
    %get3A_2 = arith.constant 0 : index
    %get3A_3 = arith.constant 0 : index
    %get3A_4 = vector.load %arg2[%get3A_2, %get3A_3] : memref<128x128xf32, #tpu.memory_space<vmem>>, vector<128x128xf32>
    %dot_general3A = arith.constant dense<0.000000e+00> : vector<256x128xf32>
    %dot_general3A_5 = tpu.matmul %get3A_1, %get3A_4, %dot_general3A {dimension_numbers = #tpu.dot_dimension_numbers<[1], [0], [0], [1], [0, 0, 1, 1], [], []>, precision = #tpu.contract_precision<fp32>, transpose_lhs_hint = false} : vector<256x128xf32>, vector<128x128xf32>, vector<256x128xf32> -> vector<256x128xf32>
    %swap3A = arith.constant 0 : index
    %swap3A_6 = arith.constant 0 : index
    %swap3A_7 = vector.load %arg3[%swap3A, %swap3A_6] : memref<256x128xf32, #tpu.memory_space<vmem>>, vector<256x128xf32>
    tpu.vector_store %arg3[%swap3A, %swap3A_6], %dot_general3A_5 {strides = array<i32>} : memref<256x128xf32, #tpu.memory_space<vmem>>, vector<256x128xf32>,
    return
  }
  func.func @transform_0(%arg0: i32) -> (i32, i32) {
    %c0_i32 = arith.constant 0 : i32
    %c0_i32_0 = arith.constant 0 : i32
    return %arg0, %c0_i32 : i32, i32
  }
  func.func @transform_1(%arg0: i32) -> (i32, i32) {
    %c0_i32 = arith.constant 0 : i32
    %c0_i32_0 = arith.constant 0 : i32
    %c0_i32_1 = arith.constant 0 : i32
    return %c0_i32, %c0_i32_0 : i32, i32
  }
  func.func @transform_2(%arg0: i32) -> (i32, i32) {
    %c0_i32 = arith.constant 0 : i32
    %c0_i32_0 = arith.constant 0 : i32
    return %arg0, %c0_i32 : i32, i32
  }
}

module attributes {stable_mosaic.version = 14 : i64} {
  func.func @_scale_body(%arg0: i32, %arg1: memref<256x128xf32, #tpu.memory_space<vmem>>, %arg2: memref<2x256xf32, #tpu.memory_space<vmem>>, %arg3: memref<256x128xf32, #tpu.memory_space<vmem>>) attributes {dimension_semantics = [#tpu.dimension_semantics<arbitrary>], iteration_bounds = array<i64: 40>, scalar_prefetch = 0 : i64, scratch_operands = 0 : i64, tpu.core_type = #tpu.core_type<tc>, window_params = [{transform_indices = @transform_0, window_bounds = array<i64: 256, 128>}, {transform_indices = @transform_1, window_bounds = array<i64: 2, 256>}, {transform_indices = @transform_2, window_bounds = array<i64: 256, 128>}]} {
    %get3A = arith.constant 0 : index
    %get3A_0 = arith.constant 0 : index
    %get3A_1 = vector.load %arg2[%get3A, %get3A_0] : memref<2x256xf32, #tpu.memory_space<vmem>>, vector<2x256xf32>
    %reduce_sum3A = arith.constant dense<0.000000e+00> : vector<256xf32>
    %reduce_sum3A_2 = vector.multi_reduction <add>, %get3A_1, %reduce_sum3A [0] : vector<2x256xf32> to vector<256xf32>
    %max3A = arith.constant 1.000000e+00 : f32
    %max3A_3 = vector.broadcast %max3A : f32 to vector<256xf32>
    %max3A_4 = arith.maximumf %reduce_sum3A_2, %max3A_3 : vector<256xf32>
    %rsqrt3A = math.rsqrt %max3A_4 : vector<256xf32>
    %get3A_5 = arith.constant 0 : index
    %get3A_6 = arith.constant 0 : index
    %get3A_7 = vector.load %arg1[%get3A_5, %get3A_6] : memref<256x128xf32, #tpu.memory_space<vmem>>, vector<256x128xf32>
    %broadcast_in_dim3A = vector.shape_cast %rsqrt3A : vector<256xf32> to vector<256x1xf32>
    %mul3A = vector.broadcast %broadcast_in_dim3A : vector<256x1xf32> to vector<256x128xf32>
    %mul3A_8 = arith.mulf %get3A_7, %mul3A : vector<256x128xf32>
    %swap3A = arith.constant 0 : index
    %swap3A_9 = arith.constant 0 : index
    %swap3A_10 = vector.load %arg3[%swap3A, %swap3A_9] : memref<256x128xf32, #tpu.memory_space<vmem>>, vector<256x128xf32>
    tpu.vector_store %arg3[%swap3A, %swap3A_9], %mul3A_8 {strides = array<i32>} : memref<256x128xf32, #tpu.memory_space<vmem>>, vector<256x128xf32>,
    return
  }
  func.func @transform_0(%arg0: i32) -> (i32, i32) {
    %c0_i32 = arith.constant 0 : i32
    %c0_i32_0 = arith.constant 0 : i32
    return %arg0, %c0_i32 : i32, i32
  }
  func.func @transform_1(%arg0: i32) -> (i32, i32) {
    %c0_i32 = arith.constant 0 : i32
    %c0_i32_0 = arith.constant 0 : i32
    return %c0_i32, %arg0 : i32, i32
  }
  func.func @transform_2(%arg0: i32) -> (i32, i32) {
    %c0_i32 = arith.constant 0 : i32
    %c0_i32_0 = arith.constant 0 : i32
    return %arg0, %c0_i32 : i32, i32
  }
}

module attributes {stable_mosaic.version = 14 : i64} {
  func.func @_epi_body(%arg0: i32, %arg1: memref<2x256x128xf32, #tpu.memory_space<vmem>>, %arg2: memref<2x256xf32, #tpu.memory_space<vmem>>, %arg3: memref<1x128xf32, #tpu.memory_space<vmem>>, %arg4: memref<1x1xf32, #tpu.memory_space<vmem>>, %arg5: memref<1x128xf32, #tpu.memory_space<vmem>>, %arg6: memref<1x128xf32, #tpu.memory_space<vmem>>, %arg7: memref<1x128xf32, #tpu.memory_space<vmem>>, %arg8: memref<1x128xf32, #tpu.memory_space<vmem>>, %arg9: memref<1x1xf32, #tpu.memory_space<vmem>>, %arg10: memref<256x128xf32, #tpu.memory_space<vmem>>) attributes {dimension_semantics = [#tpu.dimension_semantics<arbitrary>], iteration_bounds = array<i64: 40>, scalar_prefetch = 0 : i64, scratch_operands = 0 : i64, tpu.core_type = #tpu.core_type<tc>, window_params = [{transform_indices = @transform_0, window_bounds = array<i64: 2, 256, 128>}, {transform_indices = @transform_1, window_bounds = array<i64: 2, 256>}, {pipeline_mode = #tpu.pipeline_mode<synchronous>, transform_indices = @transform_2, window_bounds = array<i64: 1, 128>}, {pipeline_mode = #tpu.pipeline_mode<synchronous>, transform_indices = @transform_3, window_bounds = array<i64: 1, 1>}, {pipeline_mode = #tpu.pipeline_mode<synchronous>, transform_indices = @transform_4, window_bounds = array<i64: 1, 128>}, {pipeline_mode = #tpu.pipeline_mode<synchronous>, transform_indices = @transform_5, window_bounds = array<i64: 1, 128>}, {pipeline_mode = #tpu.pipeline_mode<synchronous>, transform_indices = @transform_6, window_bounds = array<i64: 1, 128>}, {pipeline_mode = #tpu.pipeline_mode<synchronous>, transform_indices = @transform_7, window_bounds = array<i64: 1, 128>}, {pipeline_mode = #tpu.pipeline_mode<synchronous>, transform_indices = @transform_8, window_bounds = array<i64: 1, 1>}, {transform_indices = @transform_9, window_bounds = array<i64: 256, 128>}]} {
    %get3A = arith.constant 0 : index
    %get3A_0 = arith.constant 0 : index
    %get3A_1 = arith.constant 0 : index
    %get3A_2 = vector.load %arg1[%get3A, %get3A_0, %get3A_1] : memref<2x256x128xf32, #tpu.memory_space<vmem>>, vector<1x256x128xf32>
    %get3A_3 = vector.shape_cast %get3A_2 : vector<1x256x128xf32> to vector<256x128xf32>
    %get3A_4 = arith.constant 1 : index
    %get3A_5 = arith.constant 0 : index
    %get3A_6 = arith.constant 0 : index
    %get3A_7 = vector.load %arg1[%get3A_4, %get3A_5, %get3A_6] : memref<2x256x128xf32, #tpu.memory_space<vmem>>, vector<1x256x128xf32>
    %get3A_8 = vector.shape_cast %get3A_7 : vector<1x256x128xf32> to vector<256x128xf32>
    %add3A = arith.addf %get3A_3, %get3A_8 : vector<256x128xf32>
    %get3A_9 = arith.constant 0 : index
    %get3A_10 = arith.constant 0 : index
    %get3A_11 = vector.load %arg2[%get3A_9, %get3A_10] : memref<2x256xf32, #tpu.memory_space<vmem>>, vector<2x256xf32>
    %reduce_sum3A = arith.constant dense<0.000000e+00> : vector<256xf32>
    %reduce_sum3A_12 = vector.multi_reduction <add>, %get3A_11, %reduce_sum3A [0] : vector<2x256xf32> to vector<256xf32>
    %max3A = arith.constant 1.000000e+00 : f32
    %max3A_13 = vector.broadcast %max3A : f32 to vector<256xf32>
    %max3A_14 = arith.maximumf %reduce_sum3A_12, %max3A_13 : vector<256xf32>
    %rsqrt3A = math.rsqrt %max3A_14 : vector<256xf32>
    %broadcast_in_dim3A = vector.shape_cast %rsqrt3A : vector<256xf32> to vector<256x1xf32>
    %mul3A = vector.broadcast %broadcast_in_dim3A : vector<256x1xf32> to vector<256x128xf32>
    %mul3A_15 = arith.mulf %add3A, %mul3A : vector<256x128xf32>
    %get3A_16 = arith.constant 0 : index
    %get3A_17 = arith.constant 0 : index
    %get3A_18 = vector.load %arg3[%get3A_16, %get3A_17] : memref<1x128xf32, #tpu.memory_space<vmem>>, vector<1x128xf32>
    %add3A_19 = vector.broadcast %get3A_18 : vector<1x128xf32> to vector<256x128xf32>
    %add3A_20 = arith.addf %mul3A_15, %add3A_19 : vector<256x128xf32>
    %get3A_21 = arith.constant 0 : index
    %get3A_22 = arith.constant 0 : index
    %get3A_23 = vector.load %arg4[%get3A_21, %get3A_22] : memref<1x1xf32, #tpu.memory_space<vmem>>, vector<1x1xf32>
    %get3A_24 = vector.extract %get3A_23[0, 0] : f32 from vector<1x1xf32>
    %ge3A = arith.constant 0.000000e+00 : f32
    %ge3A_25 = vector.broadcast %ge3A : f32 to vector<256x128xf32>
    %ge3A_26 = arith.cmpf oge, %add3A_20, %ge3A_25 : vector<256x128xf32>
    %mul3A_27 = vector.broadcast %get3A_24 : f32 to vector<256x128xf32>
    %mul3A_28 = arith.mulf %mul3A_27, %add3A_20 : vector<256x128xf32>
    %select_n3A = arith.select %ge3A_26, %add3A_20, %mul3A_28 : vector<256x128xi1>, vector<256x128xf32>
    %get3A_29 = arith.constant 0 : index
    %get3A_30 = arith.constant 0 : index
    %get3A_31 = vector.load %arg7[%get3A_29, %get3A_30] : memref<1x128xf32, #tpu.memory_space<vmem>>, vector<1x128xf32>
    %sub3A = vector.broadcast %get3A_31 : vector<1x128xf32> to vector<256x128xf32>
    %sub3A_32 = arith.subf %select_n3A, %sub3A : vector<256x128xf32>
    %get3A_33 = arith.constant 0 : index
    %get3A_34 = arith.constant 0 : index
    %get3A_35 = vector.load %arg8[%get3A_33, %get3A_34] : memref<1x128xf32, #tpu.memory_space<vmem>>, vector<1x128xf32>
    %add3A_36 = arith.constant 9.99999974E-6 : f32
    %add3A_37 = vector.broadcast %add3A_36 : f32 to vector<1x128xf32>
    %add3A_38 = arith.addf %get3A_35, %add3A_37 : vector<1x128xf32>
    %rsqrt3A_39 = math.rsqrt %add3A_38 : vector<1x128xf32>
    %mul3A_40 = vector.broadcast %rsqrt3A_39 : vector<1x128xf32> to vector<256x128xf32>
    %mul3A_41 = arith.mulf %sub3A_32, %mul3A_40 : vector<256x128xf32>
    %get3A_42 = arith.constant 0 : index
    %get3A_43 = arith.constant 0 : index
    %get3A_44 = vector.load %arg5[%get3A_42, %get3A_43] : memref<1x128xf32, #tpu.memory_space<vmem>>, vector<1x128xf32>
    %mul3A_45 = vector.broadcast %get3A_44 : vector<1x128xf32> to vector<256x128xf32>
    %mul3A_46 = arith.mulf %mul3A_41, %mul3A_45 : vector<256x128xf32>
    %get3A_47 = arith.constant 0 : index
    %get3A_48 = arith.constant 0 : index
    %get3A_49 = vector.load %arg6[%get3A_47, %get3A_48] : memref<1x128xf32, #tpu.memory_space<vmem>>, vector<1x128xf32>
    %add3A_50 = vector.broadcast %get3A_49 : vector<1x128xf32> to vector<256x128xf32>
    %add3A_51 = arith.addf %mul3A_46, %add3A_50 : vector<256x128xf32>
    %get3A_52 = arith.constant 0 : index
    %get3A_53 = arith.constant 0 : index
    %get3A_54 = vector.load %arg9[%get3A_52, %get3A_53] : memref<1x1xf32, #tpu.memory_space<vmem>>, vector<1x1xf32>
    %get3A_55 = vector.extract %get3A_54[0, 0] : f32 from vector<1x1xf32>
    %ge3A_56 = arith.constant 0.000000e+00 : f32
    %ge3A_57 = vector.broadcast %ge3A_56 : f32 to vector<256x128xf32>
    %ge3A_58 = arith.cmpf oge, %add3A_51, %ge3A_57 : vector<256x128xf32>
    %mul3A_59 = vector.broadcast %get3A_55 : f32 to vector<256x128xf32>
    %mul3A_60 = arith.mulf %mul3A_59, %add3A_51 : vector<256x128xf32>
    %select_n3A_61 = arith.select %ge3A_58, %add3A_51, %mul3A_60 : vector<256x128xi1>, vector<256x128xf32>
    %swap3A = arith.constant 0 : index
    %swap3A_62 = arith.constant 0 : index
    %swap3A_63 = vector.load %arg10[%swap3A, %swap3A_62] : memref<256x128xf32, #tpu.memory_space<vmem>>, vector<256x128xf32>
    tpu.vector_store %arg10[%swap3A, %swap3A_62], %select_n3A_61 {strides = array<i32>} : memref<256x128xf32, #tpu.memory_space<vmem>>, vector<256x128xf32>,
    return
  }
  func.func @transform_0(%arg0: i32) -> (i32, i32, i32) {
    %c0_i32 = arith.constant 0 : i32
    %c0_i32_0 = arith.constant 0 : i32
    %c0_i32_1 = arith.constant 0 : i32
    return %c0_i32, %arg0, %c0_i32_0 : i32, i32, i32
  }
  func.func @transform_1(%arg0: i32) -> (i32, i32) {
    %c0_i32 = arith.constant 0 : i32
    %c0_i32_0 = arith.constant 0 : i32
    return %c0_i32, %arg0 : i32, i32
  }
  func.func @transform_2(%arg0: i32) -> (i32, i32) {
    %c0_i32 = arith.constant 0 : i32
    %c0_i32_0 = arith.constant 0 : i32
    %c0_i32_1 = arith.constant 0 : i32
    return %c0_i32, %c0_i32_0 : i32, i32
  }
  func.func @transform_3(%arg0: i32) -> (i32, i32) {
    %c0_i32 = arith.constant 0 : i32
    %c0_i32_0 = arith.constant 0 : i32
    %c0_i32_1 = arith.constant 0 : i32
    return %c0_i32, %c0_i32_0 : i32, i32
  }
  func.func @transform_4(%arg0: i32) -> (i32, i32) {
    %c0_i32 = arith.constant 0 : i32
    %c0_i32_0 = arith.constant 0 : i32
    %c0_i32_1 = arith.constant 0 : i32
    return %c0_i32, %c0_i32_0 : i32, i32
  }
  func.func @transform_5(%arg0: i32) -> (i32, i32) {
    %c0_i32 = arith.constant 0 : i32
    %c0_i32_0 = arith.constant 0 : i32
    %c0_i32_1 = arith.constant 0 : i32
    return %c0_i32, %c0_i32_0 : i32, i32
  }
  func.func @transform_6(%arg0: i32) -> (i32, i32) {
    %c0_i32 = arith.constant 0 : i32
    %c0_i32_0 = arith.constant 0 : i32
    %c0_i32_1 = arith.constant 0 : i32
    return %c0_i32, %c0_i32_0 : i32, i32
  }
  func.func @transform_7(%arg0: i32) -> (i32, i32) {
    %c0_i32 = arith.constant 0 : i32
    %c0_i32_0 = arith.constant 0 : i32
    %c0_i32_1 = arith.constant 0 : i32
    return %c0_i32, %c0_i32_0 : i32, i32
  }
  func.func @transform_8(%arg0: i32) -> (i32, i32) {
    %c0_i32 = arith.constant 0 : i32
    %c0_i32_0 = arith.constant 0 : i32
    %c0_i32_1 = arith.constant 0 : i32
    return %c0_i32, %c0_i32_0 : i32, i32
  }
  func.func @transform_9(%arg0: i32) -> (i32, i32) {
    %c0_i32 = arith.constant 0 : i32
    %c0_i32_0 = arith.constant 0 : i32
    return %arg0, %c0_i32 : i32, i32
  }
}

</mosaic_0001>

<sc_bundles>
// kernel: kernel.10.cloned.1.call-start
scs
__scs_entry_jumppad:
0x0: {  	(pc) =	sbr.rel $0x88, $3  }
0x1: {  	(tag) =	ssettag $0x0;
	lr =	simm.s32 $0x1  }
0x2: {  	[smem:$0x3F97] =	sst lr;
	_ =	strace $0xD0000000  }
0x3: {  	_ = 	snop  }
0x4: {  	_ = 	snop  }
0x5: {  	_ = 	snop  }
0x6: {  	_ = 	snop  }
0x7: {  	_ = 	snop  }
__scs_overlays_trampoline_lowered:
0x8: {  	[smem:$0x3FA6] =	sst s0  }
0x9: {  	[smem:$0x3FA7] =	sst s1  }
0xa: {  	[smem:$0x3FA8] =	sst s2  }
0xb: {  	[smem:$0x3FA9] =	sst s3  }
0xc: {  	[smem:$0x3FAA] =	sst s4  }
0xd: {  	[smem:$0x3FAB] =	sst s5  }
0xe: {  	[smem:$0x3FAC] =	sst s6  }
0xf: {  	[smem:$0x3FAD] =	sst s7  }
0x10: {  	[smem:$0x3FAE] =	sst s8  }
0x11: {  	[smem:$0x3FAF] =	sst s9;
	s0 =	simm.s32 @!p0 $0x0  }
0x12: {  	s1 =	sld [smem:$0x3F95];
	s0 =	simm.s32 @p0 $0x1  }
0x13: {  	[smem:$0x3FB0] =	sst s0;
	s0 =	simm.s32 @!p1 $0x0  }
0x14: {  	s2 =	sld [smem:$0x3F94];
	s0 =	simm.s32 @p1 $0x1  }
0x15: {  	[smem:$0x3FB1] =	sst s0;
	s0 =	simm.s32 @!p2 $0x0  }
0x16: {  	s3 =	sld [smem:$0x3FDB];
	s0 =	simm.s32 @p2 $0x1  }
0x17: {  	s4 =	simm.s32 $0x1BF5;
	[smem:$0x3FB3] =	sst s0  }
0x18: {  	s0 =	sld [smem:$0x3F96];
	_ =	swait.ge [sflag:s4], $0x0  }
0x19: {  	s7 =	sld [smem:$0x3F97]  }
0x1a: {  	s8 =	sadd.s32 $0xFFFFE003, lr  }
0x1b: {  	s9 =	sadd.s32 $0xFFFFFEF7, lr;
	s5 =	simm.s32 $0xFFFFFFFF;
	p2 =	slt.u32 s8, $0xFFFFF086  }
0x1c: {  	p1 =	slt.u32 s9, $0xF7A;
	s5 =	simm.s32 @!p2 $0x0  }
0x1d: {  	s5 =	simm.s32 @p1 $0x1;
	p0 =	seq.s32 s7, s2  }
0x1e: {  	s7 =	smul.u32 @!p0 $0xF7A, s2;
	p2 =	seq.s32 @!p0 s5, $0x0  }
0x1f: {  	s9 =	smul.u32 $0xF7A, s1;
	s8 =	simm.s32 @!p0 $0x1BF5;
	p2 =	por !p2, p0  }
0x20: {  	[sflag:s8] =	ssyncset.s32 @!p0 $0xFFFFF086;
	s6 =	sadd.s32 @!p0 s3, s7;
	s7 =	simm.s32 @!p0 $0x108  }
0x21: {  	s3 =	sadd.s32 s3, s9;
	s6 =	sadd.s32 @!p0 $0x88, s6;
	s7 =	simm.s32 @p2 $0x1082  }
0x22: {  	[simem:s7], [sflag:s8] =	dma.local @!p0 [hbm:s6], $0xF7A  }
0x23: {  	s9 =	sor.u32 $0xD0000000, s2;
	s6 =	simm.s32 $0x108;
	_ =	swait.ge @!p0 [sflag:s8], $0x0  }
0x24: {  	s3 =	sadd.s32 $0x88, s3;
	s6 =	simm.s32 @!p1 $0x1082;
	[sflag:s4] =	ssyncset.s32 $0xFFFFF086  }
0x25: {  	[simem:s6], [sflag:s4] =	dma.local [hbm:s3], $0xF7A  }
0x26: {  	[smem:$0x3F97] =	sst s1;
	(tag) =	ssettag s2;
	_ =	strace s9  }
0x27: {  	s1 =	sld [smem:$0x3FA7]  }
0x28: {  	s2 =	sld [smem:$0x3FA8]  }
0x29: {  	s4 =	sld [smem:$0x3FAA]  }
0x2a: {  	p0 =	seq.s32 s5, $0x0;
	s5 =	sld [smem:$0x3FAB]  }
0x2b: {  	s6 =	sld [smem:$0x3FAC]  }
0x2c: {  	s7 =	sld [smem:$0x3FAD]  }
0x2d: {  	s3 =	simm.s32 $0x108;
	s8 =	sld [smem:$0x3FAE]  }
0x2e: {  	s3 =	simm.s32 @!p0 $0x1082;
	s9 =	sld [smem:$0x3FAF]  }
0x2f: {  	lr =	sadd.s32 s0, s3;
	s0 =	sld [smem:$0x3FA6]  }
0x30: {  	s3 =	sld [smem:$0x3FA9]  }
0x31: {  	[smem:$0x3FB2] =	sst s10  }
0x32: {  	s10 =	sld [smem:$0x3FB0];
	_ =	sdelay $0x3  }
0x33: {  	p0 =	seq.s32 s10, $0x1;
	s10 =	sld [smem:$0x3FB2];
	_ =	sdelay $0x3  }
0x34: {  	[smem:$0x3FB2] =	sst s10  }
0x35: {  	s10 =	sld [smem:$0x3FB1];
	_ =	sdelay $0x3  }
0x36: {  	p1 =	seq.s32 s10, $0x1;
	s10 =	sld [smem:$0x3FB2];
	_ =	sdelay $0x3  }
0x37: {  	[smem:$0x3FB2] =	sst s10  }
0x38: {  	s10 =	sld [smem:$0x3FB3]  }
0x39: {  	_ = 	snop;
	(pc) =	sbr.ind lr, $3  }
0x3a: {  	_ = 	snop  }
0x3b: {  	_ = 	snop  }
0x3c: {  	p2 =	seq.s32 s10, $0x1;
	s10 =	sld [smem:$0x3FB2]  }
0x3d: {  	_ =	shalt  }
0x3e: {  	_ =	shalt  }
0x3f: {  	_ =	shalt  }
0x40: {  	_ =	shalt  }
0x41: {  	_ =	shalt  }
0x42: {  	_ =	shalt  }
0x43: {  	_ =	shalt  }
0x44: {  	_ =	shalt  }
0x45: {  	_ =	shalt  }
0x46: {  	_ =	shalt  }
0x47: {  	_ =	shalt  }
0x48: {  	_ =	shalt  }
0x49: {  	_ =	shalt  }
0x4a: {  	_ =	shalt  }
0x4b: {  	_ =	shalt  }
0x4c: {  	_ =	shalt  }
0x4d: {  	_ =	shalt  }
0x4e: {  	_ =	shalt  }
0x4f: {  	_ =	shalt  }
0x50: {  	_ =	shalt  }
0x51: {  	_ =	shalt  }
0x52: {  	_ =	shalt  }
0x53: {  	_ =	shalt  }
0x54: {  	_ =	shalt  }
0x55: {  	_ =	shalt  }
0x56: {  	_ =	shalt  }
0x57: {  	_ =	shalt  }
0x58: {  	_ =	shalt  }
0x59: {  	_ =	shalt  }
0x5a: {  	_ =	shalt  }
0x5b: {  	_ =	shalt  }
0x5c: {  	_ =	shalt  }
0x5d: {  	_ =	shalt  }
0x5e: {  	_ =	shalt  }
0x5f: {  	_ =	shalt  }
0x60: {  	_ =	shalt  }
0x61: {  	_ =	shalt  }
0x62: {  	_ =	shalt  }
0x63: {  	_ =	shalt  }
0x64: {  	_ =	shalt  }
0x65: {  	_ =	shalt  }
0x66: {  	_ =	shalt  }
0x67: {  	_ =	shalt  }
0x68: {  	_ =	shalt  }
0x69: {  	_ =	shalt  }
0x6a: {  	_ =	shalt  }
0x6b: {  	_ =	shalt  }
0x6c: {  	_ =	shalt  }
0x6d: {  	_ =	shalt  }
0x6e: {  	_ =	shalt  }
0x6f: {  	_ =	shalt  }
0x70: {  	_ =	shalt  }
0x71: {  	_ =	shalt  }
0x72: {  	_ =	shalt  }
0x73: {  	_ =	shalt  }
0x74: {  	_ =	shalt  }
0x75: {  	_ =	shalt  }
0x76: {  	_ =	shalt  }
0x77: {  	_ =	shalt  }
0x78: {  	_ =	shalt  }
0x79: {  	_ =	shalt  }
0x7a: {  	_ =	shalt  }
0x7b: {  	_ =	shalt  }
0x7c: {  	_ =	shalt  }
0x7d: {  	_ =	shalt  }
0x7e: {  	_ =	shalt  }
0x7f: {  	_ =	shalt  }
0x80: {  	_ =	shalt  }
0x81: {  	_ =	shalt  }
0x82: {  	_ =	shalt  }
0x83: {  	_ =	shalt  }
0x84: {  	_ =	shalt  }
0x85: {  	_ =	shalt  }
0x86: {  	_ =	shalt  }
0x87: {  	_ =	shalt  }
.Lfunc_end0:
.L_simem_size_0:
called_computation.1_lowered:
.L_overlay_start_0:
0x88: {  	s2 =	sld [smem:$0x3FD9]  }
0x89: {  	s3 =	sld [smem:$0x3FFE];
	_ =	sdelay $0x1  }
0x8a: {  	s1 =	srdreg.scid  }
0x8b: {  	s0 =	sand.u32 $0x1, s1  }
0x8c: {  	s17 =	sshll.u32 s0, $0xA;
	s2 =	sadd.s32 s3, s2  }
0x8d: {  	s2 =	sadd.s32 s2, s17  }
0x8e: {  	[smem:$0x3FBE] =	sst s2  }
0x8f: {  	_ = 	snop  }
0x90: {  	s2 =	sld [smem:$0x3FD0];
	(tm) =	ssettm $0x1  }
0x91: {  	s18 =	sld [smem:$0x3FFB];
	_ =	sdelay $0x3  }
0x92: {  	_ =	strace s18  }
0x93: {  	s3 =	sld [smem:$0x3FFC];
	_ =	sdelay $0x3  }
0x94: {  	_ =	strace s3  }
0x95: {  	s3 =	sld [smem:$0x3FFD];
	_ =	sdelay $0x3  }
0x96: {  	_ =	strace s3  }
0x97: {  	_ =	strace $0x8FFFFFFF  }
0x98: {  	s19 =	sld [smem:$0x3FDB];
	_ =	sdelay $0x1  }
0x99: {  	s4 =	simm.s32 $_scs_section_size  }
0x9a: {  	s5 =	simm.s32 $_size__tile_overlayer_lowered;
	s6 =	simm.s32 $_tile_overlayer_lowered  }
0x9b: {  	s22 =	simm.s32 $0x1BFF;
	s21 =	sshll.u32 s6, $0x1;
	s3 =	sadd.s32 s4, s19  }
0x9c: {  	s7 =	simm.s32 $0x0;
	s20 =	sshll.u32 s5, $0x1;
	s5 =	sadd.s32 s21, s3  }
0x9d: {  	[timem:s7], [sflag:s22] =	dma.local [hbm:s5], s20  }
0x9e: {  	_ =	swait.ge [sflag:s22], s20  }
0x9f: {  	s4 =	ssub.s32 $0x0, s20;
	[sflag:s22] =	ssyncset.done $0x0  }
0xa0: {  	[sflag:s22] =	ssyncadd.s32 s4;
	_ =	sdelay $0x1  }
0xa1: {  	s23 =	simm.s32 $0x1B8B  }
0xa2: {  	_ =	swait.ge [sflag:s23], $0x1  }
0xa3: {  	[sflag:s23] =	ssyncset.done $0x0  }
0xa4: {  	s25 =	simm.s32 $0x1B8E;
	s24 =	sld [smem:$0x3FFE];
	[sflag:s23] =	ssyncadd.s32 $0xFFFFFFFF  }
0xa5: {  	s26 =	simm.s32 $execute0_lowered;
	[smem:$0x3FD2] =	sst s25  }
0xa6: {  	s5 =	sshll.u32 s26, $0x1;
	_ =	strace $0x80000049;
	[dreg:$0x1] =	wrdreg $0xFFFFFFFF  }
0xa7: {  	s28 =	simm.s32 $_size_execute0_lowered;
	s3 =	sadd.s32 s3, s5;
	[dreg:$0x0] =	wrdreg $0x0  }
0xa8: {  	s5 =	sshll.u32 s28, $0x1;
	[dreg:$0x2] =	wrdreg s3  }
0xa9: {  	[dreg:$0x3] =	wrdreg s5  }
0xaa: {  	[dreg:$0x4] =	wrdreg $0xC0  }
0xab: {  	_ =	task [dreg:s7], $0x5FFFF  }
0xac: {  	[dreg:$0x1] =	wrdreg $0xFFFFFFFF  }
0xad: {  	[dreg:$0x0] =	wrdreg $0x60  }
0xae: {  	[dreg:$0x2] =	wrdreg s24  }
0xaf: {  	[dreg:$0x3] =	wrdreg s2  }
0xb0: {  	[dreg:$0x4] =	wrdreg $0x90000  }
0xb1: {  	[dreg:$0x5] =	wrdreg $0x9  }
0xb2: {  	_ =	task.clear_ibuf [dreg:s7], $0x6FFFF;
	_ =	strace $0x90000049  }
0xb3: {  	s29 =	simm.s32 $0x9;
	_ =	strace $0x8000004B  }
0xb4: {  	_ =	swait.ge [sflag:s29], $0x1  }
0xb5: {  	[sflag:s29] =	ssyncadd.s32 $0xFFFFFFFF  }
0xb6: {  	_ =	strace $0x9000004B  }
0xb7: {  	_ =	sfence  }
0xb8: {  	s30 =	sld [smem:$0x0];
	_ =	sdelay $0x2  }
0xb9: {  	s31 =	sshll.u32 s1, $0xD;
	s1 =	sshrl.u32 s1, $0x2  }
0xba: {  	s3 =	sand.u32 $0x4000, s31;
	s1 =	sadd.s32 s1, s30  }
0xbb: {  	s0 =	sor.u32 s3, s0;
	s1 =	sshll.u32 s1, $0x11  }
0xbc: {  	s0 =	sor.u32 s1, s0  }
0xbd: {  	s0 =	sadd.s32 $0x8F2B, s0  }
0xbe: {  	[sflag:s0] =	ssyncadd.remote.s32 $0x1  }
0xbf: {  	_ =	sfence.sel $0xFFFF  }
0xc0: {  	[dreg:$0x0] =	wrdreg $0xFFFFFFFF;
	(pc) =	sbr.abs _section_cstart, $3  }
0xc1: {  	[dreg:$0x1] =	wrdreg $0xFFFFFFFF  }
0xc2: {  	_ =	task.clear_ibuf [dreg:s7], $0x2FFFF;
	_ =	strace $0x9FFFFFFF  }
0xc3: {  	(tm) =	ssettm $0x7FFFFFFF  }
tec
execute0_lowered:
.L_overlay_start_1:
0x0: {  	(tag) =	ssettag $0x1  }
0x1: {  	s5 =	rddreg [dreg:$0x0]  }
0x2: {  	s1 =	srdreg.scid;
	s7 =	rddreg [dreg:$0x1]  }
0x3: {  	s0 =	stileid.u32;
	s2 =	rddreg [dreg:$0x2]  }
0x4: {  	s3 =	simm.s32 $0x0;
	s18 =	simm.s32 $0x2;
	s19 =	simm.s32 $0x2800  }
0x5: {  	s20 =	simm.s32 $0x5000;
	s21 =	simm.s32 $0x80;
	s22 =	simm.s32 $0x1  }
0x6: {  	s23 =	simm.s32 $0x0;
	s6 =	sand.u32 $0x1, s1;
	s9 =	smul.u32 $0x280, s0  }
0x7: {  	s30 =	sshll.u32 s0, $0x1;
	[smem:$0x7FF] =	sst s3;
	s11 =	smul.u32 $0x50000, s0  }
0x8: {  	s4 =	sadd.s32 $0xBE00, s5;
	s1 =	sor.u32 s6, s30;
	s10 =	smul.u32 $0x2800, s6  }
0x9: {  	s6 =	ssub.s32 $0x2, s6;
	s8 =	smul.u32 $0x500, s1;
	s1 =	rddreg [dreg:$0x3]  }
0xa: {  	_ =	strace $0x8000004A;
	s31 =	sshrl.u32 s6, $0x1;
	s11 =	sshrl.u32 s11, $0x2  }
0xb: {  	s9 =	sadd.s32 s9, s10;
	s17 =	ssub.s32 s6, s31;
	s12 =	sadd.s32 s8, s5  }
0xc: {  	s9 =	sshll.u32 s9, $0x4;
	s7 =	sadd.s32 s7, s8;
	s17 =	smax.u32 s17, $0x1  }
0xd: {  	s16 =	sadd.s32 s9, s5;
	s5 =	sadd.s32 s11, s2;
	s6 =	sadd.s32 $0x1E00, s12  }
0xe: {  	s8 =	sadd.s32 $0x4000, s5;
	s9 =	sadd.s32 $0x8000, s5;
	s10 =	sadd.s32 $0xC000, s5  }
0xf: {  	s11 =	sadd.s32 $0x10000, s5;
	s12 =	sadd.s32 $0x33E00, s16;
	s13 =	sadd.s32 $0x34600, s16  }
0x10: {  	v0 =	vimm.f32 $0.0e+00;
	s14 =	sadd.s32 $0x34E00, s16;
	s15 =	sadd.s32 $0x35600, s16;
	s16 =	sadd.s32 $0x35E00, s16  }
.LBB2_1:
0x11: {  	[tilespmem:s3], [sflag:$0x2] =	stream.linear.gather [hbm4b:s6+s3], $0x2800, $0x38;
	[tilespmem:$0x1D000] =	vst v63  }
0x12: {  	_ =	swait.ge [sflag:s18], $0x2800  }
0x13: {  	[sflag:s18] =	ssyncset.done $0x0  }
0x14: {  	[sflag:s18] =	ssyncadd.s32 $0xFFFFD800  }
0x15: {  	[tilespmem:s19], [sflag:$0x2] =	stream.linear.gather [hbm4b:s7+s3], $0x2800, $0x38;
	[tilespmem:$0x1D000] =	vst v63  }
0x16: {  	_ =	swait.ge [sflag:s18], $0x2800  }
0x17: {  	[sflag:s18] =	ssyncset.done $0x0  }
0x18: {  	s24 =	simm.s32 $0x0;
	s25 =	simm.s32 $0x200;
	[sflag:s18] =	ssyncadd.s32 $0xFFFFD800  }
.LBB2_2:
0x19: {  	p0 =	sne.s32 s25, $0xFE00;
	[tilespmem:s24+$0x5070] =	vst v0  }
0x1a: {  	[tilespmem:s24+$0x5000] =	vst v0  }
0x1b: {  	[tilespmem:s24+$0x5010] =	vst v0  }
.Ltmp0:
0x1c: {  	[tilespmem:s24+$0x5020] =	vst v0;
	(pc) =	sbr.rel @p0 .LBB2_2-.Ltmp0, $4  }
0x1d: {  	[tilespmem:s24+$0x5030] =	vst v0  }
0x1e: {  	[tilespmem:s24+$0x5040] =	vst v0  }
0x1f: {  	[tilespmem:s24+$0x5050] =	vst v0  }
0x20: {  	[tilespmem:s24+$0x5060] =	vst v0;
	s24 =	sshra.s32 s25, $0x2;
	s25 =	sadd.s32 $0x200, s25  }
0x21: {  	[tilespmem:s24+$0x5070] =	vst v0  }
0x22: {  	[tilespmem:s24+$0x5000] =	vst v0  }
0x23: {  	[tilespmem:s24+$0x5010] =	vst v0  }
0x24: {  	[tilespmem:s24+$0x5020] =	vst v0  }
0x25: {  	[tilespmem:s24+$0x5030] =	vst v0  }
0x26: {  	[tilespmem:s24+$0x5040] =	vst v0  }
0x27: {  	[tilespmem:s24+$0x5050] =	vst v0  }
0x28: {  	[tilespmem:s24+$0x5060] =	vst v0  }
0x29: {  	[spmem:s5] =	stream.linear.scatter [tilespmem:s20], [sflag:$0x2], $0x4000, $0x38;
	[tilespmem:$0x1D000] =	vst v63  }
0x2a: {  	_ =	swait.ge [sflag:s18], $0x4000  }
0x2b: {  	[sflag:s18] =	ssyncset.done $0x0  }
0x2c: {  	[sflag:s18] =	ssyncadd.s32 $0xFFFFC000  }
0x2d: {  	[spmem:s8] =	stream.linear.scatter [tilespmem:s20], [sflag:$0x2], $0x4000, $0x38;
	[tilespmem:$0x1D000] =	vst v63  }
0x2e: {  	_ =	swait.ge [sflag:s18], $0x4000  }
0x2f: {  	[sflag:s18] =	ssyncset.done $0x0  }
0x30: {  	[sflag:s18] =	ssyncadd.s32 $0xFFFFC000  }
0x31: {  	[spmem:s9] =	stream.linear.scatter [tilespmem:s20], [sflag:$0x2], $0x4000, $0x38;
	[tilespmem:$0x1D000] =	vst v63  }
0x32: {  	_ =	swait.ge [sflag:s18], $0x4000  }
0x33: {  	[sflag:s18] =	ssyncset.done $0x0  }
0x34: {  	[sflag:s18] =	ssyncadd.s32 $0xFFFFC000  }
0x35: {  	[spmem:s10] =	stream.linear.scatter [tilespmem:s20], [sflag:$0x2], $0x4000, $0x38;
	[tilespmem:$0x1D000] =	vst v63  }
0x36: {  	_ =	swait.ge [sflag:s18], $0x4000  }
0x37: {  	[sflag:s18] =	ssyncset.done $0x0  }
0x38: {  	[sflag:s18] =	ssyncadd.s32 $0xFFFFC000  }
0x39: {  	[spmem:s11] =	stream.linear.scatter [tilespmem:s20], [sflag:$0x2], $0x4000, $0x38;
	[tilespmem:$0x1D000] =	vst v63  }
0x3a: {  	_ =	swait.ge [sflag:s18], $0x4000  }
0x3b: {  	[sflag:s18] =	ssyncset.done $0x0  }
0x3c: {  	[sflag:s18] =	ssyncadd.s32 $0xFFFFC000  }
0x3d: {  	s30 =	simm.s32 $0x0;
	[bflag:$0x0] =	sbarrier.arrive $0xFFFF  }
0x3e: {  	[tilespmem:s20], [sflag:$0x1] =	stream.indirect.gather [hbm4b:s4+s21], $0x80, s30, s21, $0xb8;
	[tilespmem:$0x1D000] =	vst v63  }
0x3f: {  	_ =	swait.ge [sflag:s22], $0x4000  }
0x40: {  	[sflag:s22] =	ssyncset.done $0x0  }
0x41: {  	s31 =	simm.s32 $0x2800;
	[sflag:s22] =	ssyncadd.s32 $0xFFFFC000  }
0x42: {  	[spmem:s2] =	stream.indirect.scatter.add.f32 [tilespmem:s20], [sflag:$0x2], $0x80, s31, s21, $0xb8;
	[tilespmem:$0x1D000] =	vst v63  }
0x43: {  	_ =	swait.ge [sflag:s18], $0x4000  }
0x44: {  	s24 =	simm.s32 $0x200;
	s25 =	simm.s32 $0x400;
	[sflag:s18] =	ssyncset.done $0x0  }
.LBB2_4:
0x45: {  	s26 =	sshra.s32 s24, $0x2  }
0x46: {  	[sflag:s18] =	ssyncadd.s32 $0xFFFFC000;
	s24 =	smov.u32 s25;
	s28 =	sadd.s32 $0x200, s25  }
0x47: {  	[tilespmem:s20], [sflag:$0x1] =	stream.indirect.gather [hbm4b:s4+s21], $0x80, s26, s21, $0xb8;
	[tilespmem:$0x1D000] =	vst v63  }
0x48: {  	p0 =	sne.s32 s25, $0x9E00;
	_ =	swait.ge [sflag:s22], $0x4000  }
.Ltmp1:
0x49: {  	[sflag:s22] =	ssyncset.done $0x0;
	(pc) =	sbr.rel @p0 .LBB2_4-.Ltmp1, $4  }
0x4a: {  	s25 =	sadd.s32 $0x2800, s26;
	[sflag:s22] =	ssyncadd.s32 $0xFFFFC000  }
0x4b: {  	[spmem:s2] =	stream.indirect.scatter.add.f32 [tilespmem:s20], [sflag:$0x2], $0x80, s25, s21, $0xb8;
	[tilespmem:$0x1D000] =	vst v63  }
0x4c: {  	_ =	swait.ge [sflag:s18], $0x4000  }
0x4d: {  	s25 =	smov.u32 s28;
	[sflag:s18] =	ssyncset.done $0x0  }
0x4e: {  	s24 =	sshra.s32 s24, $0x2;
	[sflag:s18] =	ssyncadd.s32 $0xFFFFC000  }
0x4f: {  	[tilespmem:s20], [sflag:$0x1] =	stream.indirect.gather [hbm4b:s4+s21], $0x80, s24, s21, $0xb8;
	[tilespmem:$0x1D000] =	vst v63  }
0x50: {  	_ =	swait.ge [sflag:s22], $0x4000  }
0x51: {  	[sflag:s22] =	ssyncset.done $0x0  }
0x52: {  	s24 =	sadd.s32 $0x2800, s24;
	[sflag:s22] =	ssyncadd.s32 $0xFFFFC000  }
0x53: {  	[spmem:s2] =	stream.indirect.scatter.add.f32 [tilespmem:s20], [sflag:$0x2], $0x80, s24, s21, $0xb8;
	[tilespmem:$0x1D000] =	vst v63  }
0x54: {  	_ =	swait.ge [sflag:s18], $0x4000  }
0x55: {  	[sflag:s18] =	ssyncset.done $0x0  }
0x56: {  	[sflag:s18] =	ssyncadd.s32 $0xFFFFC000  }
0x57: {  	[bflag:$0x0] =	sbarrier.arrive $0xFFFF  }
0x58: {  	[tilespmem:s20], [sflag:$0x2] =	stream.linear.gather [spmem:s5], $0x4000, $0x38;
	[tilespmem:$0x1D000] =	vst v63  }
0x59: {  	_ =	swait.ge [sflag:s18], $0x4000  }
0x5a: {  	[sflag:s18] =	ssyncset.done $0x0  }
0x5b: {  	[sflag:s18] =	ssyncadd.s32 $0xFFFFC000  }
0x5c: {  	[hbm4b:s12+s3] =	stream.linear.scatter [tilespmem:s20], [sflag:$0x2], $0x4000, $0x38;
	[tilespmem:$0x1D000] =	vst v63  }
0x5d: {  	_ =	swait.ge [sflag:s18], $0x4000  }
0x5e: {  	[sflag:s18] =	ssyncset.done $0x0  }
0x5f: {  	[sflag:s18] =	ssyncadd.s32 $0xFFFFC000  }
0x60: {  	[tilespmem:s20], [sflag:$0x2] =	stream.linear.gather [spmem:s8], $0x4000, $0x38;
	[tilespmem:$0x1D000] =	vst v63  }
0x61: {  	_ =	swait.ge [sflag:s18], $0x4000  }
0x62: {  	[sflag:s18] =	ssyncset.done $0x0  }
0x63: {  	[sflag:s18] =	ssyncadd.s32 $0xFFFFC000  }
0x64: {  	[hbm4b:s13+s3] =	stream.linear.scatter [tilespmem:s20], [sflag:$0x2], $0x4000, $0x38;
	[tilespmem:$0x1D000] =	vst v63  }
0x65: {  	_ =	swait.ge [sflag:s18], $0x4000  }
0x66: {  	[sflag:s18] =	ssyncset.done $0x0  }
0x67: {  	[sflag:s18] =	ssyncadd.s32 $0xFFFFC000  }
0x68: {  	[tilespmem:s20], [sflag:$0x2] =	stream.linear.gather [spmem:s9], $0x4000, $0x38;
	[tilespmem:$0x1D000] =	vst v63  }
0x69: {  	_ =	swait.ge [sflag:s18], $0x4000  }
0x6a: {  	[sflag:s18] =	ssyncset.done $0x0  }
0x6b: {  	[sflag:s18] =	ssyncadd.s32 $0xFFFFC000  }
0x6c: {  	[hbm4b:s14+s3] =	stream.linear.scatter [tilespmem:s20], [sflag:$0x2], $0x4000, $0x38;
	[tilespmem:$0x1D000] =	vst v63  }
0x6d: {  	_ =	swait.ge [sflag:s18], $0x4000  }
0x6e: {  	[sflag:s18] =	ssyncset.done $0x0  }
0x6f: {  	[sflag:s18] =	ssyncadd.s32 $0xFFFFC000  }
0x70: {  	[tilespmem:s20], [sflag:$0x2] =	stream.linear.gather [spmem:s10], $0x4000, $0x38;
	[tilespmem:$0x1D000] =	vst v63  }
0x71: {  	_ =	swait.ge [sflag:s18], $0x4000  }
0x72: {  	[sflag:s18] =	ssyncset.done $0x0  }
0x73: {  	[sflag:s18] =	ssyncadd.s32 $0xFFFFC000  }
0x74: {  	[hbm4b:s15+s3] =	stream.linear.scatter [tilespmem:s20], [sflag:$0x2], $0x4000, $0x38;
	[tilespmem:$0x1D000] =	vst v63  }
0x75: {  	_ =	swait.ge [sflag:s18], $0x4000  }
0x76: {  	[sflag:s18] =	ssyncset.done $0x0  }
0x77: {  	[sflag:s18] =	ssyncadd.s32 $0xFFFFC000  }
0x78: {  	[tilespmem:s20], [sflag:$0x2] =	stream.linear.gather [spmem:s11], $0x4000, $0x38;
	[tilespmem:$0x1D000] =	vst v63  }
0x79: {  	s23 =	sadd.s32 $0x1, s23;
	_ =	swait.ge [sflag:s18], $0x4000  }
0x7a: {  	p0 =	sne.s32 s23, s17;
	[sflag:s18] =	ssyncset.done $0x0  }
.Ltmp2:
0x7b: {  	[sflag:s18] =	ssyncadd.s32 $0xFFFFC000;
	(pc) =	sbr.rel @p0 .LBB2_1-.Ltmp2, $4  }
0x7c: {  	[hbm4b:s16+s3] =	stream.linear.scatter [tilespmem:s20], [sflag:$0x2], $0x4000, $0x38;
	[tilespmem:$0x1D000] =	vst v63  }
0x7d: {  	_ =	swait.ge [sflag:s18], $0x4000  }
0x7e: {  	[sflag:s18] =	ssyncset.done $0x0  }
0x7f: {  	[sflag:s18] =	ssyncadd.s32 $0xFFFFC000  }
0x80: {  	_ =	sfence.sel $0x180000  }
0x81: {  	[bflag:$0x0] =	sbarrier.arrive $0xFFFF  }
0x82: {  	p0 =	sne.s32 s0, $0x0;
	_ =	strace $0x9000004A  }
0x83: {  	s0 =	sadd.s32 @!p0 $0x100000, s1;
	[bflag:$0x2] =	sbarrier.arrive $0xFFFF  }
0x84: {  	[sflag:s0] =	ssyncadd.tile.s32 @!p0 $0x1;
	_ =	shalt  }
.Lfunc_end2:
_tile_overlayer_lowered:
.L_overlay_start_2:
0x85: {  	(tag) =	ssettag $0x2  }
0x86: {  	s0 =	rddreg [dreg:$0x0];
	s2 =	stileid.u32  }
0x87: {  	s1 =	rddreg [dreg:$0x1];
	p0 =	sne.s32 s2, $0x0  }
0x88: {  	s3 =	rddreg [dreg:$0x2];
	[bflag:$0x3] =	sbarrier.arrive $0xFFFF;
	s2 =	simm.s32 @!p0 $0x1C02  }
0x89: {  	[timem:s3], [sflag:s2] =	dma.local @!p0 [hbm:s0], s1  }
0x8a: {  	s0 =	simm.s32 @!p0 $0x2  }
0x8b: {  	_ =	swait.ge @!p0 [sflag:s0], s1  }
0x8c: {  	s1 =	ssub.s32 @!p0 $0x0, s1;
	[sflag:s0] =	ssyncset.done @!p0 $0x0  }
0x8d: {  	[sflag:s0] =	ssyncadd.s32 @!p0 s1  }
0x8e: {  	[bflag:$0x3] =	sbarrier.arrive $0xFFFF  }
0x8f: {  	_ =	shalt  }

// kernel: kernel.7.cloned.1.call-start
scs
__scs_entry_jumppad:
0x0: {  	(pc) =	sbr.rel $0x88, $3  }
0x1: {  	(tag) =	ssettag $0x0;
	lr =	simm.s32 $0x1  }
0x2: {  	[smem:$0x3F97] =	sst lr;
	_ =	strace $0xD0000000  }
0x3: {  	_ = 	snop  }
0x4: {  	_ = 	snop  }
0x5: {  	_ = 	snop  }
0x6: {  	_ = 	snop  }
0x7: {  	_ = 	snop  }
__scs_overlays_trampoline_lowered:
0x8: {  	[smem:$0x3FA6] =	sst s0  }
0x9: {  	[smem:$0x3FA7] =	sst s1  }
0xa: {  	[smem:$0x3FA8] =	sst s2  }
0xb: {  	[smem:$0x3FA9] =	sst s3  }
0xc: {  	[smem:$0x3FAA] =	sst s4  }
0xd: {  	[smem:$0x3FAB] =	sst s5  }
0xe: {  	[smem:$0x3FAC] =	sst s6  }
0xf: {  	[smem:$0x3FAD] =	sst s7  }
0x10: {  	[smem:$0x3FAE] =	sst s8  }
0x11: {  	[smem:$0x3FAF] =	sst s9;
	s0 =	simm.s32 @!p0 $0x0  }
0x12: {  	s1 =	sld [smem:$0x3F95];
	s0 =	simm.s32 @p0 $0x1  }
0x13: {  	[smem:$0x3FB0] =	sst s0;
	s0 =	simm.s32 @!p1 $0x0  }
0x14: {  	s2 =	sld [smem:$0x3F94];
	s0 =	simm.s32 @p1 $0x1  }
0x15: {  	[smem:$0x3FB1] =	sst s0;
	s0 =	simm.s32 @!p2 $0x0  }
0x16: {  	s3 =	sld [smem:$0x3FDB];
	s0 =	simm.s32 @p2 $0x1  }
0x17: {  	s4 =	simm.s32 $0x1BF5;
	[smem:$0x3FB3] =	sst s0  }
0x18: {  	s0 =	sld [smem:$0x3F96];
	_ =	swait.ge [sflag:s4], $0x0  }
0x19: {  	s7 =	sld [smem:$0x3F97]  }
0x1a: {  	s8 =	sadd.s32 $0xFFFFE003, lr  }
0x1b: {  	s9 =	sadd.s32 $0xFFFFFEF7, lr;
	s5 =	simm.s32 $0xFFFFFFFF;
	p2 =	slt.u32 s8, $0xFFFFF086  }
0x1c: {  	p1 =	slt.u32 s9, $0xF7A;
	s5 =	simm.s32 @!p2 $0x0  }
0x1d: {  	s5 =	simm.s32 @p1 $0x1;
	p0 =	seq.s32 s7, s2  }
0x1e: {  	s7 =	smul.u32 @!p0 $0xF7A, s2;
	p2 =	seq.s32 @!p0 s5, $0x0  }
0x1f: {  	s9 =	smul.u32 $0xF7A, s1;
	s8 =	simm.s32 @!p0 $0x1BF5;
	p2 =	por !p2, p0  }
0x20: {  	[sflag:s8] =	ssyncset.s32 @!p0 $0xFFFFF086;
	s6 =	sadd.s32 @!p0 s3, s7;
	s7 =	simm.s32 @!p0 $0x108  }
0x21: {  	s3 =	sadd.s32 s3, s9;
	s6 =	sadd.s32 @!p0 $0x88, s6;
	s7 =	simm.s32 @p2 $0x1082  }
0x22: {  	[simem:s7], [sflag:s8] =	dma.local @!p0 [hbm:s6], $0xF7A  }
0x23: {  	s9 =	sor.u32 $0xD0000000, s2;
	s6 =	simm.s32 $0x108;
	_ =	swait.ge @!p0 [sflag:s8], $0x0  }
0x24: {  	s3 =	sadd.s32 $0x88, s3;
	s6 =	simm.s32 @!p1 $0x1082;
	[sflag:s4] =	ssyncset.s32 $0xFFFFF086  }
0x25: {  	[simem:s6], [sflag:s4] =	dma.local [hbm:s3], $0xF7A  }
0x26: {  	[smem:$0x3F97] =	sst s1;
	(tag) =	ssettag s2;
	_ =	strace s9  }
0x27: {  	s1 =	sld [smem:$0x3FA7]  }
0x28: {  	s2 =	sld [smem:$0x3FA8]  }
0x29: {  	s4 =	sld [smem:$0x3FAA]  }
0x2a: {  	p0 =	seq.s32 s5, $0x0;
	s5 =	sld [smem:$0x3FAB]  }
0x2b: {  	s6 =	sld [smem:$0x3FAC]  }
0x2c: {  	s7 =	sld [smem:$0x3FAD]  }
0x2d: {  	s3 =	simm.s32 $0x108;
	s8 =	sld [smem:$0x3FAE]  }
0x2e: {  	s3 =	simm.s32 @!p0 $0x1082;
	s9 =	sld [smem:$0x3FAF]  }
0x2f: {  	lr =	sadd.s32 s0, s3;
	s0 =	sld [smem:$0x3FA6]  }
0x30: {  	s3 =	sld [smem:$0x3FA9]  }
0x31: {  	[smem:$0x3FB2] =	sst s10  }
0x32: {  	s10 =	sld [smem:$0x3FB0];
	_ =	sdelay $0x3  }
0x33: {  	p0 =	seq.s32 s10, $0x1;
	s10 =	sld [smem:$0x3FB2];
	_ =	sdelay $0x3  }
0x34: {  	[smem:$0x3FB2] =	sst s10  }
0x35: {  	s10 =	sld [smem:$0x3FB1];
	_ =	sdelay $0x3  }
0x36: {  	p1 =	seq.s32 s10, $0x1;
	s10 =	sld [smem:$0x3FB2];
	_ =	sdelay $0x3  }
0x37: {  	[smem:$0x3FB2] =	sst s10  }
0x38: {  	s10 =	sld [smem:$0x3FB3]  }
0x39: {  	_ = 	snop;
	(pc) =	sbr.ind lr, $3  }
0x3a: {  	_ = 	snop  }
0x3b: {  	_ = 	snop  }
0x3c: {  	p2 =	seq.s32 s10, $0x1;
	s10 =	sld [smem:$0x3FB2]  }
0x3d: {  	_ =	shalt  }
0x3e: {  	_ =	shalt  }
0x3f: {  	_ =	shalt  }
0x40: {  	_ =	shalt  }
0x41: {  	_ =	shalt  }
0x42: {  	_ =	shalt  }
0x43: {  	_ =	shalt  }
0x44: {  	_ =	shalt  }
0x45: {  	_ =	shalt  }
0x46: {  	_ =	shalt  }
0x47: {  	_ =	shalt  }
0x48: {  	_ =	shalt  }
0x49: {  	_ =	shalt  }
0x4a: {  	_ =	shalt  }
0x4b: {  	_ =	shalt  }
0x4c: {  	_ =	shalt  }
0x4d: {  	_ =	shalt  }
0x4e: {  	_ =	shalt  }
0x4f: {  	_ =	shalt  }
0x50: {  	_ =	shalt  }
0x51: {  	_ =	shalt  }
0x52: {  	_ =	shalt  }
0x53: {  	_ =	shalt  }
0x54: {  	_ =	shalt  }
0x55: {  	_ =	shalt  }
0x56: {  	_ =	shalt  }
0x57: {  	_ =	shalt  }
0x58: {  	_ =	shalt  }
0x59: {  	_ =	shalt  }
0x5a: {  	_ =	shalt  }
0x5b: {  	_ =	shalt  }
0x5c: {  	_ =	shalt  }
0x5d: {  	_ =	shalt  }
0x5e: {  	_ =	shalt  }
0x5f: {  	_ =	shalt  }
0x60: {  	_ =	shalt  }
0x61: {  	_ =	shalt  }
0x62: {  	_ =	shalt  }
0x63: {  	_ =	shalt  }
0x64: {  	_ =	shalt  }
0x65: {  	_ =	shalt  }
0x66: {  	_ =	shalt  }
0x67: {  	_ =	shalt  }
0x68: {  	_ =	shalt  }
0x69: {  	_ =	shalt  }
0x6a: {  	_ =	shalt  }
0x6b: {  	_ =	shalt  }
0x6c: {  	_ =	shalt  }
0x6d: {  	_ =	shalt  }
0x6e: {  	_ =	shalt  }
0x6f: {  	_ =	shalt  }
0x70: {  	_ =	shalt  }
0x71: {  	_ =	shalt  }
0x72: {  	_ =	shalt  }
0x73: {  	_ =	shalt  }
0x74: {  	_ =	shalt  }
0x75: {  	_ =	shalt  }
0x76: {  	_ =	shalt  }
0x77: {  	_ =	shalt  }
0x78: {  	_ =	shalt  }
0x79: {  	_ =	shalt  }
0x7a: {  	_ =	shalt  }
0x7b: {  	_ =	shalt  }
0x7c: {  	_ =	shalt  }
0x7d: {  	_ =	shalt  }
0x7e: {  	_ =	shalt  }
0x7f: {  	_ =	shalt  }
0x80: {  	_ =	shalt  }
0x81: {  	_ =	shalt  }
0x82: {  	_ =	shalt  }
0x83: {  	_ =	shalt  }
0x84: {  	_ =	shalt  }
0x85: {  	_ =	shalt  }
0x86: {  	_ =	shalt  }
0x87: {  	_ =	shalt  }
.Lfunc_end0:
.L_simem_size_0:
called_computation_lowered:
.L_overlay_start_0:
0x88: {  	s2 =	sld [smem:$0x3FD9]  }
0x89: {  	s3 =	sld [smem:$0x3FFE];
	_ =	sdelay $0x1  }
0x8a: {  	s1 =	srdreg.scid  }
0x8b: {  	s0 =	sand.u32 $0x1, s1  }
0x8c: {  	s17 =	sshll.u32 s0, $0xA;
	s2 =	sadd.s32 s3, s2  }
0x8d: {  	s2 =	sadd.s32 s2, s17  }
0x8e: {  	[smem:$0x3FBE] =	sst s2  }
0x8f: {  	_ = 	snop  }
0x90: {  	s2 =	sld [smem:$0x3FD0];
	(tm) =	ssettm $0x1  }
0x91: {  	s18 =	sld [smem:$0x3FFB];
	_ =	sdelay $0x3  }
0x92: {  	_ =	strace s18  }
0x93: {  	s3 =	sld [smem:$0x3FFC];
	_ =	sdelay $0x3  }
0x94: {  	_ =	strace s3  }
0x95: {  	s3 =	sld [smem:$0x3FFD];
	_ =	sdelay $0x3  }
0x96: {  	_ =	strace s3  }
0x97: {  	_ =	strace $0x8FFFFFFF  }
0x98: {  	s19 =	sld [smem:$0x3FDB];
	_ =	sdelay $0x1  }
0x99: {  	s4 =	simm.s32 $_scs_section_size  }
0x9a: {  	s5 =	simm.s32 $_size__tile_overlayer_lowered;
	s6 =	simm.s32 $_tile_overlayer_lowered  }
0x9b: {  	s22 =	simm.s32 $0x1BFF;
	s21 =	sshll.u32 s6, $0x1;
	s3 =	sadd.s32 s4, s19  }
0x9c: {  	s7 =	simm.s32 $0x0;
	s20 =	sshll.u32 s5, $0x1;
	s5 =	sadd.s32 s21, s3  }
0x9d: {  	[timem:s7], [sflag:s22] =	dma.local [hbm:s5], s20  }
0x9e: {  	_ =	swait.ge [sflag:s22], s20  }
0x9f: {  	s4 =	ssub.s32 $0x0, s20;
	[sflag:s22] =	ssyncset.done $0x0  }
0xa0: {  	[sflag:s22] =	ssyncadd.s32 s4;
	_ =	sdelay $0x1  }
0xa1: {  	s23 =	simm.s32 $0x1B8B  }
0xa2: {  	_ =	swait.ge [sflag:s23], $0x1  }
0xa3: {  	[sflag:s23] =	ssyncset.done $0x0  }
0xa4: {  	s25 =	simm.s32 $0x1B8E;
	s24 =	sld [smem:$0x3FFE];
	[sflag:s23] =	ssyncadd.s32 $0xFFFFFFFF  }
0xa5: {  	s26 =	simm.s32 $execute0_lowered;
	[smem:$0x3FD2] =	sst s25  }
0xa6: {  	s5 =	sshll.u32 s26, $0x1;
	_ =	strace $0x80000046;
	[dreg:$0x1] =	wrdreg $0xFFFFFFFF  }
0xa7: {  	s28 =	simm.s32 $_size_execute0_lowered;
	s3 =	sadd.s32 s3, s5;
	[dreg:$0x0] =	wrdreg $0x0  }
0xa8: {  	s5 =	sshll.u32 s28, $0x1;
	[dreg:$0x2] =	wrdreg s3  }
0xa9: {  	[dreg:$0x3] =	wrdreg s5  }
0xaa: {  	[dreg:$0x4] =	wrdreg $0xC0  }
0xab: {  	_ =	task [dreg:s7], $0x5FFFF  }
0xac: {  	[dreg:$0x1] =	wrdreg $0xFFFFFFFF  }
0xad: {  	[dreg:$0x0] =	wrdreg $0x60  }
0xae: {  	[dreg:$0x2] =	wrdreg s24  }
0xaf: {  	[dreg:$0x3] =	wrdreg s2  }
0xb0: {  	[dreg:$0x4] =	wrdreg $0x53000  }
0xb1: {  	[dreg:$0x5] =	wrdreg $0x55800  }
0xb2: {  	[dreg:$0x6] =	wrdreg $0x9  }
0xb3: {  	_ =	task.clear_ibuf [dreg:s7], $0x7FFFF;
	_ =	strace $0x90000046  }
0xb4: {  	s29 =	simm.s32 $0x9;
	_ =	strace $0x80000048  }
0xb5: {  	_ =	swait.ge [sflag:s29], $0x1  }
0xb6: {  	[sflag:s29] =	ssyncadd.s32 $0xFFFFFFFF  }
0xb7: {  	_ =	strace $0x90000048  }
0xb8: {  	_ =	sfence  }
0xb9: {  	s30 =	sld [smem:$0x0];
	_ =	sdelay $0x2  }
0xba: {  	s31 =	sshll.u32 s1, $0xD;
	s1 =	sshrl.u32 s1, $0x2  }
0xbb: {  	s3 =	sand.u32 $0x4000, s31;
	s1 =	sadd.s32 s1, s30  }
0xbc: {  	s0 =	sor.u32 s3, s0;
	s1 =	sshll.u32 s1, $0x11  }
0xbd: {  	s0 =	sor.u32 s1, s0  }
0xbe: {  	s0 =	sadd.s32 $0x8F2B, s0  }
0xbf: {  	[sflag:s0] =	ssyncadd.remote.s32 $0x1  }
0xc0: {  	_ =	sfence.sel $0xFFFF  }
0xc1: {  	[dreg:$0x0] =	wrdreg $0xFFFFFFFF;
	(pc) =	sbr.abs _section_cstart, $3  }
0xc2: {  	[dreg:$0x1] =	wrdreg $0xFFFFFFFF  }
0xc3: {  	_ =	task.clear_ibuf [dreg:s7], $0x2FFFF;
	_ =	strace $0x9FFFFFFF  }
0xc4: {  	(tm) =	ssettm $0x7FFFFFFF  }
0xc5: {  	_ =	shalt  }
tec
execute0_lowered:
.L_overlay_start_1:
0x0: {  	(tag) =	ssettag $0x1  }
0x1: {  	s5 =	rddreg [dreg:$0x0]  }
0x2: {  	s6 =	rddreg [dreg:$0x1]  }
0x3: {  	s2 =	rddreg [dreg:$0x2]  }
0x4: {  	s3 =	rddreg [dreg:$0x3]  }
0x5: {  	s0 =	rddreg [dreg:$0x4];
	s4 =	srdreg.scid  }
0x6: {  	s1 =	stileid.u32;
	s13 =	simm.s32 $0x2800;
	s14 =	simm.s32 $0x5080  }
0x7: {  	s15 =	simm.s32 $0x80;
	s16 =	simm.s32 $0x5000;
	s17 =	simm.s32 $0x0  }
0x8: {  	s7 =	sand.u32 $0x1, s4;
	s8 =	sshll.u32 s1, $0x1;
	s9 =	smul.u32 $0x280, s1  }
0x9: {  	s4 =	simm.s32 $0x0;
	s8 =	sor.u32 s7, s8;
	s10 =	smul.u32 $0x5000, s7  }
0xa: {  	[smem:$0x7FF] =	sst s4;
	s7 =	ssub.s32 $0x2, s7;
	s8 =	smul.u32 $0x500, s8  }
0xb: {  	_ =	strace $0x80000047;
	s12 =	sshrl.u32 s7, $0x1;
	s10 =	sadd.s32 s9, s10  }
0xc: {  	s12 =	ssub.s32 s7, s12;
	s7 =	sadd.s32 s9, s2;
	s11 =	sadd.s32 s8, s5  }
0xd: {  	s10 =	sshrl.u32 s10, $0x3;
	s6 =	sadd.s32 s6, s8;
	s8 =	sadd.s32 s9, s3  }
0xe: {  	s10 =	sadd.s32 s10, s5;
	s5 =	sadd.s32 $0x1E00, s11;
	s11 =	smax.u32 s12, $0x1  }
0xf: {  	v0 =	vimm.f32 $1.000000000e+00;
	v1 =	vimm.f32 $0.0e+00;
	s12 =	simm.s32 $0x1;
	s9 =	sadd.s32 $0xBE00, s10;
	s10 =	sadd.s32 $0xC300, s10  }
.LBB2_1:
0x10: {  	[tilespmem:s4], [sflag:$0x1] =	stream.linear.gather [hbm4b:s5+s4], $0x2800, $0x38;
	[tilespmem:$0x5800] =	vst v63  }
0x11: {  	_ =	swait.ge [sflag:s12], $0x2800  }
0x12: {  	[sflag:s12] =	ssyncset.done $0x0  }
0x13: {  	[sflag:s12] =	ssyncadd.s32 $0xFFFFD800  }
0x14: {  	[tilespmem:s13], [sflag:$0x1] =	stream.linear.gather [hbm4b:s6+s4], $0x2800, $0x38;
	[tilespmem:$0x5800] =	vst v63  }
0x15: {  	_ =	swait.ge [sflag:s12], $0x2800  }
0x16: {  	[sflag:s12] =	ssyncset.done $0x0  }
0x17: {  	[sflag:s12] =	ssyncadd.s32 $0xFFFFD800  }
0x18: {  	[tilespmem:$0x5000] =	vst v0  }
0x19: {  	[tilespmem:$0x5010] =	vst v0  }
0x1a: {  	[tilespmem:$0x5020] =	vst v0  }
0x1b: {  	[tilespmem:$0x5030] =	vst v0  }
0x1c: {  	[tilespmem:$0x5040] =	vst v0  }
0x1d: {  	[tilespmem:$0x5050] =	vst v0  }
0x1e: {  	[tilespmem:$0x5060] =	vst v0  }
0x1f: {  	[tilespmem:$0x5070] =	vst v0  }
0x20: {  	[tilespmem:$0x5080] =	vst v1  }
0x21: {  	[tilespmem:$0x5090] =	vst v1  }
0x22: {  	[tilespmem:$0x50A0] =	vst v1  }
0x23: {  	[tilespmem:$0x50B0] =	vst v1  }
0x24: {  	[tilespmem:$0x50C0] =	vst v1  }
0x25: {  	[tilespmem:$0x50D0] =	vst v1  }
0x26: {  	[tilespmem:$0x50E0] =	vst v1  }
0x27: {  	[tilespmem:$0x50F0] =	vst v1  }
0x28: {  	[tilespmem:$0x5100] =	vst v1  }
0x29: {  	[tilespmem:$0x5110] =	vst v1  }
0x2a: {  	[tilespmem:$0x5120] =	vst v1  }
0x2b: {  	[tilespmem:$0x5130] =	vst v1  }
0x2c: {  	[tilespmem:$0x5140] =	vst v1  }
0x2d: {  	[tilespmem:$0x5150] =	vst v1  }
0x2e: {  	[tilespmem:$0x5160] =	vst v1  }
0x2f: {  	[tilespmem:$0x5170] =	vst v1  }
0x30: {  	[tilespmem:$0x5180] =	vst v1  }
0x31: {  	[tilespmem:$0x5190] =	vst v1  }
0x32: {  	[tilespmem:$0x51A0] =	vst v1  }
0x33: {  	[tilespmem:$0x51B0] =	vst v1  }
0x34: {  	[tilespmem:$0x51C0] =	vst v1  }
0x35: {  	[tilespmem:$0x51D0] =	vst v1  }
0x36: {  	[tilespmem:$0x51E0] =	vst v1  }
0x37: {  	[tilespmem:$0x51F0] =	vst v1  }
0x38: {  	[tilespmem:$0x5200] =	vst v1  }
0x39: {  	[tilespmem:$0x5210] =	vst v1  }
0x3a: {  	[tilespmem:$0x5220] =	vst v1  }
0x3b: {  	[tilespmem:$0x5230] =	vst v1  }
0x3c: {  	[tilespmem:$0x5240] =	vst v1  }
0x3d: {  	[tilespmem:$0x5250] =	vst v1  }
0x3e: {  	[tilespmem:$0x5260] =	vst v1  }
0x3f: {  	[tilespmem:$0x5270] =	vst v1  }
0x40: {  	[tilespmem:$0x5280] =	vst v1  }
0x41: {  	[tilespmem:$0x5290] =	vst v1  }
0x42: {  	[tilespmem:$0x52A0] =	vst v1  }
0x43: {  	[tilespmem:$0x52B0] =	vst v1  }
0x44: {  	[tilespmem:$0x52C0] =	vst v1  }
0x45: {  	[tilespmem:$0x52D0] =	vst v1  }
0x46: {  	[tilespmem:$0x52E0] =	vst v1  }
0x47: {  	[tilespmem:$0x52F0] =	vst v1  }
0x48: {  	[spmem:s7] =	stream.linear.scatter [tilespmem:s14], [sflag:$0x1], $0x280, $0x38;
	[tilespmem:$0x5800] =	vst v63  }
0x49: {  	_ =	swait.ge [sflag:s12], $0x280  }
0x4a: {  	[sflag:s12] =	ssyncset.done $0x0  }
0x4b: {  	[sflag:s12] =	ssyncadd.s32 $0xFFFFFD80  }
0x4c: {  	[spmem:s8] =	stream.linear.scatter [tilespmem:s14], [sflag:$0x1], $0x280, $0x38;
	[tilespmem:$0x5800] =	vst v63  }
0x4d: {  	_ =	swait.ge [sflag:s12], $0x280  }
0x4e: {  	[sflag:s12] =	ssyncset.done $0x0  }
0x4f: {  	[sflag:s12] =	ssyncadd.s32 $0xFFFFFD80  }
0x50: {  	s18 =	simm.s32 $0x0;
	[bflag:$0x0] =	sbarrier.arrive $0xFFFF  }
0x51: {  	[spmem:s2] =	stream.indirect.scatter.add.f32 [tilespmem:s16], [sflag:$0x1], $0x1, s18, s15, $0xb8;
	[tilespmem:$0x5800] =	vst v63  }
0x52: {  	_ =	swait.ge [sflag:s12], $0x80  }
0x53: {  	[sflag:s12] =	ssyncset.done $0x0  }
0x54: {  	s31 =	simm.s32 $0x2800;
	[sflag:s12] =	ssyncadd.s32 $0xFFFFFF80  }
0x55: {  	[spmem:s3] =	stream.indirect.scatter.add.f32 [tilespmem:s16], [sflag:$0x1], $0x1, s31, s15, $0xb8;
	[tilespmem:$0x5800] =	vst v63  }
0x56: {  	_ =	swait.ge [sflag:s12], $0x80  }
0x57: {  	s19 =	simm.s32 $0x400;
	s18 =	simm.s32 $0x200;
	[sflag:s12] =	ssyncset.done $0x0  }
.LBB2_2:
0x58: {  	s20 =	sshra.s32 s18, $0x2  }
0x59: {  	[sflag:s12] =	ssyncadd.s32 $0xFFFFFF80;
	s18 =	smov.u32 s19;
	s21 =	sadd.s32 $0x200, s19  }
0x5a: {  	[spmem:s2] =	stream.indirect.scatter.add.f32 [tilespmem:s16], [sflag:$0x1], $0x1, s20, s15, $0xb8;
	[tilespmem:$0x5800] =	vst v63  }
0x5b: {  	p0 =	sne.s32 s19, $0x9E00;
	_ =	swait.ge [sflag:s12], $0x80  }
.Ltmp0:
0x5c: {  	[sflag:s12] =	ssyncset.done $0x0;
	(pc) =	sbr.rel @p0 .LBB2_2-.Ltmp0, $4  }
0x5d: {  	s19 =	sadd.s32 $0x2800, s20;
	[sflag:s12] =	ssyncadd.s32 $0xFFFFFF80  }
0x5e: {  	[spmem:s3] =	stream.indirect.scatter.add.f32 [tilespmem:s16], [sflag:$0x1], $0x1, s19, s15, $0xb8;
	[tilespmem:$0x5800] =	vst v63  }
0x5f: {  	_ =	swait.ge [sflag:s12], $0x80  }
0x60: {  	s19 =	smov.u32 s21;
	[sflag:s12] =	ssyncset.done $0x0  }
0x61: {  	s18 =	sshra.s32 s18, $0x2;
	[sflag:s12] =	ssyncadd.s32 $0xFFFFFF80  }
0x62: {  	[spmem:s2] =	stream.indirect.scatter.add.f32 [tilespmem:s16], [sflag:$0x1], $0x1, s18, s15, $0xb8;
	[tilespmem:$0x5800] =	vst v63  }
0x63: {  	_ =	swait.ge [sflag:s12], $0x80  }
0x64: {  	[sflag:s12] =	ssyncset.done $0x0  }
0x65: {  	s18 =	sadd.s32 $0x2800, s18;
	[sflag:s12] =	ssyncadd.s32 $0xFFFFFF80  }
0x66: {  	[spmem:s3] =	stream.indirect.scatter.add.f32 [tilespmem:s16], [sflag:$0x1], $0x1, s18, s15, $0xb8;
	[tilespmem:$0x5800] =	vst v63  }
0x67: {  	_ =	swait.ge [sflag:s12], $0x80  }
0x68: {  	[sflag:s12] =	ssyncset.done $0x0  }
0x69: {  	[sflag:s12] =	ssyncadd.s32 $0xFFFFFF80  }
0x6a: {  	[bflag:$0x0] =	sbarrier.arrive $0xFFFF  }
0x6b: {  	[tilespmem:s14], [sflag:$0x1] =	stream.linear.gather [spmem:s7], $0x280, $0x38;
	[tilespmem:$0x5800] =	vst v63  }
0x6c: {  	_ =	swait.ge [sflag:s12], $0x280  }
0x6d: {  	[sflag:s12] =	ssyncset.done $0x0  }
0x6e: {  	[sflag:s12] =	ssyncadd.s32 $0xFFFFFD80  }
0x6f: {  	[hbm4b:s9+s4] =	stream.linear.scatter [tilespmem:s14], [sflag:$0x1], $0x280, $0x38;
	[tilespmem:$0x5800] =	vst v63  }
0x70: {  	_ =	swait.ge [sflag:s12], $0x280  }
0x71: {  	[sflag:s12] =	ssyncset.done $0x0  }
0x72: {  	[sflag:s12] =	ssyncadd.s32 $0xFFFFFD80  }
0x73: {  	[tilespmem:s14], [sflag:$0x1] =	stream.linear.gather [spmem:s8], $0x280, $0x38;
	[tilespmem:$0x5800] =	vst v63  }
0x74: {  	s17 =	sadd.s32 $0x1, s17;
	_ =	swait.ge [sflag:s12], $0x280  }
0x75: {  	p0 =	sne.s32 s17, s11;
	[sflag:s12] =	ssyncset.done $0x0  }
.Ltmp1:
0x76: {  	[sflag:s12] =	ssyncadd.s32 $0xFFFFFD80;
	(pc) =	sbr.rel @p0 .LBB2_1-.Ltmp1, $4  }
0x77: {  	[hbm4b:s10+s4] =	stream.linear.scatter [tilespmem:s14], [sflag:$0x1], $0x280, $0x38;
	[tilespmem:$0x5800] =	vst v63  }
0x78: {  	_ =	swait.ge [sflag:s12], $0x280  }
0x79: {  	[sflag:s12] =	ssyncset.done $0x0  }
0x7a: {  	[sflag:s12] =	ssyncadd.s32 $0xFFFFFD80  }
0x7b: {  	_ =	sfence.sel $0x180000  }
0x7c: {  	[bflag:$0x0] =	sbarrier.arrive $0xFFFF  }
0x7d: {  	p0 =	sne.s32 s1, $0x0;
	_ =	strace $0x90000047  }
0x7e: {  	s0 =	sadd.s32 @!p0 $0x100000, s0;
	[bflag:$0x2] =	sbarrier.arrive $0xFFFF  }
0x7f: {  	[sflag:s0] =	ssyncadd.tile.s32 @!p0 $0x1;
	_ =	shalt  }
.Lfunc_end2:
_tile_overlayer_lowered:
.L_overlay_start_2:
0x80: {  	(tag) =	ssettag $0x2  }
0x81: {  	s0 =	rddreg [dreg:$0x0];
	s2 =	stileid.u32  }
0x82: {  	s1 =	rddreg [dreg:$0x1];
	p0 =	sne.s32 s2, $0x0  }
0x83: {  	s3 =	rddreg [dreg:$0x2];
	[bflag:$0x3] =	sbarrier.arrive $0xFFFF;
	s2 =	simm.s32 @!p0 $0x1C01  }
0x84: {  	[timem:s3], [sflag:s2] =	dma.local @!p0 [hbm:s0], s1  }
0x85: {  	s0 =	simm.s32 @!p0 $0x1  }
0x86: {  	_ =	swait.ge @!p0 [sflag:s0], s1  }
0x87: {  	s1 =	ssub.s32 @!p0 $0x0, s1;
	[sflag:s0] =	ssyncset.done @!p0 $0x0  }
0x88: {  	[sflag:s0] =	ssyncadd.s32 @!p0 s1  }
0x89: {  	[bflag:$0x3] =	sbarrier.arrive $0xFFFF  }
0x8a: {  	_ =	shalt  }

</sc_bundles>
